<compile_context>
chip_gen: v7x
topology: tpu7x:2x2x1
jax: 0.10.2.dev20260603
libtpu: 0.0.44.dev20260713+nightly
codegen_flags: <defaults>
</compile_context>

<pallas_src>
import functools

import jax
import jax.numpy as jnp
from jax import lax
from jax.experimental import pallas as pl
from jax.experimental.pallas import tpu as pltpu
from jax.experimental.pallas import tpu_sc as plsc

B = 16384
D = 64
N = 1000000
NC = 2
NS = 16
NW = NC * NS
BPW = B // NW
NBUF = 8

_mesh = plsc.VectorSubcoreMesh(core_axis_name="c", subcore_axis_name="s")


@functools.partial(
    pl.kernel,
    mesh=_mesh,
    compiler_params=pltpu.CompilerParams(needs_layout_passes=False),
    out_type=[
        jax.ShapeDtypeStruct((B * D,), jnp.float32),
        jax.ShapeDtypeStruct((B * D,), jnp.float32),
    ],
    scratch_types=[
        pltpu.VMEM((BPW * 16,), jnp.int32),
        pltpu.VMEM((BPW * 16,), jnp.int32),
        pltpu.VMEM((BPW * 16,), jnp.int32),
        pltpu.VMEM((BPW * 16,), jnp.int32),
        pltpu.VMEM((BPW * D,), jnp.float32),
    ] + [pltpu.VMEM((D, 128), jnp.float32) for _ in range(NBUF)]
      + [pltpu.SemaphoreType.DMA for _ in range(NBUF)],
)
def _sc_slab_gather(ucs_hbm, uls_hbm, ics_hbm, ils_hbm, utT_hbm, itT_hbm,
                    uo_hbm, io_hbm,
                    ucs_v, uls_v, ics_v, ils_v, rows_v, *slots_and_sems):
    slots = slots_and_sems[:NBUF]
    sems = slots_and_sems[NBUF:]
    wid = lax.axis_index("s") * NC + lax.axis_index("c")
    pltpu.sync_copy(ucs_hbm.at[wid], ucs_v)
    pltpu.sync_copy(uls_hbm.at[wid], uls_v)
    pltpu.sync_copy(ics_hbm.at[wid], ics_v)
    pltpu.sync_copy(ils_hbm.at[wid], ils_v)
    lane16 = lax.iota(jnp.int32, 16)

    def do_table(tT_hbm, out_hbm, cs_v, ls_v, slots):

        def issue(k, b):
            s = cs_v[pl.ds(pl.multiple_of(k * 16, 16), 16)][0]
            pltpu.async_copy(
                tT_hbm.at[:, pl.ds(pl.multiple_of(s, 128), 128)],
                slots[b], sems[b])

        def extract(k, b):
            pltpu.make_async_copy(
                tT_hbm.at[:, pl.ds(0, 128)], slots[b], sems[b]).wait()
            lvec = ls_v[pl.ds(pl.multiple_of(k * 16, 16), 16)]
            for j in range(4):
                v = plsc.load_gather(slots[b], [lane16 + 16 * j, lvec])
                rows_v[pl.ds(pl.multiple_of(k * D + 16 * j, 16), 16)] = v

        for b in range(NBUF):
            issue(b, b)

        def body(k0):
            for b in range(NBUF):
                extract(k0 + b, b)

                @pl.when(k0 + NBUF + b < BPW)
                def _():
                    issue(k0 + NBUF + b, b)

        pl.loop(0, BPW, step=NBUF)(body)
        pltpu.sync_copy(rows_v, out_hbm.at[pl.ds(wid * BPW * D, BPW * D)])

    do_table(utT_hbm, uo_hbm, ucs_v, uls_v, slots)
    do_table(itT_hbm, io_hbm, ics_v, ils_v, slots)


def _head_body(u_ref, v_ref, w_ref, b_ref, o_ref):
    m = u_ref[...] * v_ref[...]
    p = jnp.sum(m * w_ref[...], axis=1, keepdims=True) + b_ref[0]
    o_ref[...] = 1.0 / (1.0 + jnp.exp(-p))


def _head(u, v, w_row, b):
    blk = 2048
    return pl.pallas_call(
        _head_body,
        grid=(B // blk,),
        in_specs=[
            pl.BlockSpec((blk, D), lambda i: (i, 0)),
            pl.BlockSpec((blk, D), lambda i: (i, 0)),
            pl.BlockSpec((1, D), lambda i: (0, 0)),
            pl.BlockSpec(memory_space=pltpu.SMEM),
        ],
        out_specs=pl.BlockSpec((blk, 1), lambda i: (i, 0)),
        out_shape=jax.ShapeDtypeStruct((B, 1), jnp.float32),
    )(u, v, w_row, b)


def kernel(user_id, item_id, user_table, item_table, W, b):
    uid = user_id.astype(jnp.int32)
    iid = item_id.astype(jnp.int32)
    def rep16(x):
        return jnp.broadcast_to(x.reshape(NW, BPW, 1),
                                (NW, BPW, 16)).reshape(NW, BPW * 16)
    ucs = rep16(uid & ~127)
    uls = rep16(uid & 127)
    ics = rep16(iid & ~127)
    ils = rep16(iid & 127)
    u1d, i1d = _sc_slab_gather(ucs, uls, ics, ils,
                               user_table.T, item_table.T)
    return _head(u1d.reshape(B, D), i1d.reshape(B, D), W.reshape(1, D), b)

# --- scband reference (transcript-rebuilt; emitter-appended) ---
"""Pipeline reference for scband-generalized-matrix-fatorization-34213709480095 (READ-ONLY COPY).

The authoritative reference and input builder live on the scoring server;
editing this copy changes nothing except your own understanding.
"""

import jax, jax.numpy as jnp
import numpy as np

NUM_USERS = 1000000
NUM_ITEMS = 1000000
LATENT_DIM = 64
BATCH = 16384


def setup_inputs(seed: int = 0) -> dict:
    key = jax.random.key(seed)
    k1, k2, k3, k4, k5, k6 = jax.random.split(key, 6)
    user_id = jax.random.randint(k1, (BATCH,), 0, NUM_USERS, dtype=jnp.int64 if jax.config.jax_enable_x64 else jnp.int32)
    item_id = jax.random.randint(k2, (BATCH,), 0, NUM_ITEMS, dtype=jnp.int64 if jax.config.jax_enable_x64 else jnp.int32)
    user_table = jax.random.normal(k3, (NUM_USERS, LATENT_DIM), dtype=jnp.float32) * 0.01
    item_table = jax.random.normal(k4, (NUM_ITEMS, LATENT_DIM), dtype=jnp.float32) * 0.01
    W = jax.random.normal(k5, (LATENT_DIM, 1), dtype=jnp.float32) * (1.0 / np.sqrt(LATENT_DIM))
    b = jnp.zeros((1,), dtype=jnp.float32)
    return {"user_id": user_id, "item_id": item_id, "user_table": user_table, "item_table": item_table, "W": W, "b": b}


def reference(user_id, item_id, user_table, item_table, W, b):
    # Embedding lookups (gather)
    user_vec = jnp.take(user_table, user_id, axis=0)  # [B, D]
    item_vec = jnp.take(item_table, item_id, axis=0)  # [B, D]
    # Elementwise product (GMF interaction)
    multiply_layer = user_vec * item_vec  # [B, D]
    # Linear predict layer
    predict = multiply_layer @ W + b  # [B, 1]
    # Sigmoid
    output = jax.nn.sigmoid(predict)
    return output

if __name__ == "__main__":
    import jax
    _d = setup_inputs()
    print(jax.jit(kernel)(*tuple(_d.values())))

</pallas_src>

<mosaic_0001>
#map = affine_map<(d0, d1) -> (0, 0)>
#map1 = affine_map<(d0, d1) -> (0)>
module attributes {stable_mosaic.version = 14 : i64} {
  func.func @_sc_slab_gather(%arg0: i32, %arg1: i32, %arg2: memref<32x8192xi32, #tpu.memory_space<hbm>>, %arg3: memref<32x8192xi32, #tpu.memory_space<hbm>>, %arg4: memref<32x8192xi32, #tpu.memory_space<hbm>>, %arg5: memref<32x8192xi32, #tpu.memory_space<hbm>>, %arg6: memref<64x1000000xf32, #tpu.memory_space<hbm>>, %arg7: memref<64x1000000xf32, #tpu.memory_space<hbm>>, %arg8: memref<1048576xf32, #tpu.memory_space<hbm>>, %arg9: memref<1048576xf32, #tpu.memory_space<hbm>>, %arg10: memref<8192xi32, #tpu.memory_space<vmem>>, %arg11: memref<8192xi32, #tpu.memory_space<vmem>>, %arg12: memref<8192xi32, #tpu.memory_space<vmem>>, %arg13: memref<8192xi32, #tpu.memory_space<vmem>>, %arg14: memref<32768xf32, #tpu.memory_space<vmem>>, %arg15: memref<64x128xf32, #tpu.memory_space<vmem>>, %arg16: memref<64x128xf32, #tpu.memory_space<vmem>>, %arg17: memref<64x128xf32, #tpu.memory_space<vmem>>, %arg18: memref<64x128xf32, #tpu.memory_space<vmem>>, %arg19: memref<64x128xf32, #tpu.memory_space<vmem>>, %arg20: memref<64x128xf32, #tpu.memory_space<vmem>>, %arg21: memref<64x128xf32, #tpu.memory_space<vmem>>, %arg22: memref<64x128xf32, #tpu.memory_space<vmem>>, %arg23: memref<!tpu.dma_semaphore, #tpu.memory_space<semaphore_mem>>, %arg24: memref<!tpu.dma_semaphore, #tpu.memory_space<semaphore_mem>>, %arg25: memref<!tpu.dma_semaphore, #tpu.memory_space<semaphore_mem>>, %arg26: memref<!tpu.dma_semaphore, #tpu.memory_space<semaphore_mem>>, %arg27: memref<!tpu.dma_semaphore, #tpu.memory_space<semaphore_mem>>, %arg28: memref<!tpu.dma_semaphore, #tpu.memory_space<semaphore_mem>>, %arg29: memref<!tpu.dma_semaphore, #tpu.memory_space<semaphore_mem>>, %arg30: memref<!tpu.dma_semaphore, #tpu.memory_space<semaphore_mem>>) attributes {dimension_semantics = [#tpu.dimension_semantics<core_parallel>, #tpu.dimension_semantics<subcore_parallel>], iteration_bounds = array<i64: 2, 16>, scalar_prefetch = 0 : i64, scratch_operands = 21 : i64, tpu.core_type = #tpu.core_type<sc_vector_subcore>, window_params = [{transform_indices = #map}, {transform_indices = #map}, {transform_indices = #map}, {transform_indices = #map}, {transform_indices = #map}, {transform_indices = #map}, {transform_indices = #map1}, {transform_indices = #map1}]} {
    %mul3A = arith.constant 2 : i32
    %mul3A_0 = arith.muli %arg1, %mul3A : i32
    %add3A = arith.addi %mul3A_0, %arg0 : i32
    "tpu.region"() ({
      %run_scoped3A = tpu.sem_alloc : memref<!tpu.dma_semaphore, #tpu.memory_space<semaphore_mem>>
      %dma_start3A_189 = arith.constant 0 : i32
      %dma_start3A_190 = tpu.memref_slice %arg2[%add3A, %dma_start3A_189] : memref<32x8192xi32, #tpu.memory_space<hbm>> -> memref<1x8192xi32, #tpu.memory_space<hbm>>
      %dma_start3A_191 = tpu.memref_squeeze %dma_start3A_190 : memref<1x8192xi32, #tpu.memory_space<hbm>> -> memref<8192xi32, #tpu.memory_space<hbm>>
      %dma_start3A_192 = arith.constant 0 : i32
      %dma_start3A_193 = tpu.memref_slice %arg2[%add3A, %dma_start3A_192] : memref<32x8192xi32, #tpu.memory_space<hbm>> -> memref<1x8192xi32, #tpu.memory_space<hbm>>
      %dma_start3A_194 = tpu.memref_squeeze %dma_start3A_193 : memref<1x8192xi32, #tpu.memory_space<hbm>> -> memref<8192xi32, #tpu.memory_space<hbm>>
      tpu.enqueue_dma source(%dma_start3A_194 : memref<8192xi32, #tpu.memory_space<hbm>>) target(%arg10 : memref<8192xi32, #tpu.memory_space<vmem>>) target_semaphore(%run_scoped3A : memref<!tpu.dma_semaphore, #tpu.memory_space<semaphore_mem>>)
      %dma_wait3A = arith.constant 0 : i32
      %dma_wait3A_195 = tpu.memref_slice %arg2[%add3A, %dma_wait3A] : memref<32x8192xi32, #tpu.memory_space<hbm>> -> memref<1x8192xi32, #tpu.memory_space<hbm>>
      %dma_wait3A_196 = tpu.memref_squeeze %dma_wait3A_195 : memref<1x8192xi32, #tpu.memory_space<hbm>> -> memref<8192xi32, #tpu.memory_space<hbm>>
      %dma_wait3A_197 = arith.constant 0 : i32
      %dma_wait3A_198 = tpu.memref_slice %arg2[%add3A, %dma_wait3A_197] : memref<32x8192xi32, #tpu.memory_space<hbm>> -> memref<1x8192xi32, #tpu.memory_space<hbm>>
      %dma_wait3A_199 = tpu.memref_squeeze %dma_wait3A_198 : memref<1x8192xi32, #tpu.memory_space<hbm>> -> memref<8192xi32, #tpu.memory_space<hbm>>
      tpu.wait_dma2 semaphore(%run_scoped3A : memref<!tpu.dma_semaphore, #tpu.memory_space<semaphore_mem>>) src(%dma_wait3A_199 : memref<8192xi32, #tpu.memory_space<hbm>>) dst(%arg10 : memref<8192xi32, #tpu.memory_space<vmem>>)
      tpu.yield
    }) : () -> ()
    "tpu.region"() ({
      %run_scoped3A = tpu.sem_alloc : memref<!tpu.dma_semaphore, #tpu.memory_space<semaphore_mem>>
      %dma_start3A_189 = arith.constant 0 : i32
      %dma_start3A_190 = tpu.memref_slice %arg3[%add3A, %dma_start3A_189] : memref<32x8192xi32, #tpu.memory_space<hbm>> -> memref<1x8192xi32, #tpu.memory_space<hbm>>
      %dma_start3A_191 = tpu.memref_squeeze %dma_start3A_190 : memref<1x8192xi32, #tpu.memory_space<hbm>> -> memref<8192xi32, #tpu.memory_space<hbm>>
      %dma_start3A_192 = arith.constant 0 : i32
      %dma_start3A_193 = tpu.memref_slice %arg3[%add3A, %dma_start3A_192] : memref<32x8192xi32, #tpu.memory_space<hbm>> -> memref<1x8192xi32, #tpu.memory_space<hbm>>
      %dma_start3A_194 = tpu.memref_squeeze %dma_start3A_193 : memref<1x8192xi32, #tpu.memory_space<hbm>> -> memref<8192xi32, #tpu.memory_space<hbm>>
      tpu.enqueue_dma source(%dma_start3A_194 : memref<8192xi32, #tpu.memory_space<hbm>>) target(%arg11 : memref<8192xi32, #tpu.memory_space<vmem>>) target_semaphore(%run_scoped3A : memref<!tpu.dma_semaphore, #tpu.memory_space<semaphore_mem>>)
      %dma_wait3A = arith.constant 0 : i32
      %dma_wait3A_195 = tpu.memref_slice %arg3[%add3A, %dma_wait3A] : memref<32x8192xi32, #tpu.memory_space<hbm>> -> memref<1x8192xi32, #tpu.memory_space<hbm>>
      %dma_wait3A_196 = tpu.memref_squeeze %dma_wait3A_195 : memref<1x8192xi32, #tpu.memory_space<hbm>> -> memref<8192xi32, #tpu.memory_space<hbm>>
      %dma_wait3A_197 = arith.constant 0 : i32
      %dma_wait3A_198 = tpu.memref_slice %arg3[%add3A, %dma_wait3A_197] : memref<32x8192xi32, #tpu.memory_space<hbm>> -> memref<1x8192xi32, #tpu.memory_space<hbm>>
      %dma_wait3A_199 = tpu.memref_squeeze %dma_wait3A_198 : memref<1x8192xi32, #tpu.memory_space<hbm>> -> memref<8192xi32, #tpu.memory_space<hbm>>
      tpu.wait_dma2 semaphore(%run_scoped3A : memref<!tpu.dma_semaphore, #tpu.memory_space<semaphore_mem>>) src(%dma_wait3A_199 : memref<8192xi32, #tpu.memory_space<hbm>>) dst(%arg11 : memref<8192xi32, #tpu.memory_space<vmem>>)
      tpu.yield
    }) : () -> ()
    "tpu.region"() ({
      %run_scoped3A = tpu.sem_alloc : memref<!tpu.dma_semaphore, #tpu.memory_space<semaphore_mem>>
      %dma_start3A_189 = arith.constant 0 : i32
      %dma_start3A_190 = tpu.memref_slice %arg4[%add3A, %dma_start3A_189] : memref<32x8192xi32, #tpu.memory_space<hbm>> -> memref<1x8192xi32, #tpu.memory_space<hbm>>
      %dma_start3A_191 = tpu.memref_squeeze %dma_start3A_190 : memref<1x8192xi32, #tpu.memory_space<hbm>> -> memref<8192xi32, #tpu.memory_space<hbm>>
      %dma_start3A_192 = arith.constant 0 : i32
      %dma_start3A_193 = tpu.memref_slice %arg4[%add3A, %dma_start3A_192] : memref<32x8192xi32, #tpu.memory_space<hbm>> -> memref<1x8192xi32, #tpu.memory_space<hbm>>
      %dma_start3A_194 = tpu.memref_squeeze %dma_start3A_193 : memref<1x8192xi32, #tpu.memory_space<hbm>> -> memref<8192xi32, #tpu.memory_space<hbm>>
      tpu.enqueue_dma source(%dma_start3A_194 : memref<8192xi32, #tpu.memory_space<hbm>>) target(%arg12 : memref<8192xi32, #tpu.memory_space<vmem>>) target_semaphore(%run_scoped3A : memref<!tpu.dma_semaphore, #tpu.memory_space<semaphore_mem>>)
      %dma_wait3A = arith.constant 0 : i32
      %dma_wait3A_195 = tpu.memref_slice %arg4[%add3A, %dma_wait3A] : memref<32x8192xi32, #tpu.memory_space<hbm>> -> memref<1x8192xi32, #tpu.memory_space<hbm>>
      %dma_wait3A_196 = tpu.memref_squeeze %dma_wait3A_195 : memref<1x8192xi32, #tpu.memory_space<hbm>> -> memref<8192xi32, #tpu.memory_space<hbm>>
      %dma_wait3A_197 = arith.constant 0 : i32
      %dma_wait3A_198 = tpu.memref_slice %arg4[%add3A, %dma_wait3A_197] : memref<32x8192xi32, #tpu.memory_space<hbm>> -> memref<1x8192xi32, #tpu.memory_space<hbm>>
      %dma_wait3A_199 = tpu.memref_squeeze %dma_wait3A_198 : memref<1x8192xi32, #tpu.memory_space<hbm>> -> memref<8192xi32, #tpu.memory_space<hbm>>
      tpu.wait_dma2 semaphore(%run_scoped3A : memref<!tpu.dma_semaphore, #tpu.memory_space<semaphore_mem>>) src(%dma_wait3A_199 : memref<8192xi32, #tpu.memory_space<hbm>>) dst(%arg12 : memref<8192xi32, #tpu.memory_space<vmem>>)
      tpu.yield
    }) : () -> ()
    "tpu.region"() ({
      %run_scoped3A = tpu.sem_alloc : memref<!tpu.dma_semaphore, #tpu.memory_space<semaphore_mem>>
      %dma_start3A_189 = arith.constant 0 : i32
      %dma_start3A_190 = tpu.memref_slice %arg5[%add3A, %dma_start3A_189] : memref<32x8192xi32, #tpu.memory_space<hbm>> -> memref<1x8192xi32, #tpu.memory_space<hbm>>
      %dma_start3A_191 = tpu.memref_squeeze %dma_start3A_190 : memref<1x8192xi32, #tpu.memory_space<hbm>> -> memref<8192xi32, #tpu.memory_space<hbm>>
      %dma_start3A_192 = arith.constant 0 : i32
      %dma_start3A_193 = tpu.memref_slice %arg5[%add3A, %dma_start3A_192] : memref<32x8192xi32, #tpu.memory_space<hbm>> -> memref<1x8192xi32, #tpu.memory_space<hbm>>
      %dma_start3A_194 = tpu.memref_squeeze %dma_start3A_193 : memref<1x8192xi32, #tpu.memory_space<hbm>> -> memref<8192xi32, #tpu.memory_space<hbm>>
      tpu.enqueue_dma source(%dma_start3A_194 : memref<8192xi32, #tpu.memory_space<hbm>>) target(%arg13 : memref<8192xi32, #tpu.memory_space<vmem>>) target_semaphore(%run_scoped3A : memref<!tpu.dma_semaphore, #tpu.memory_space<semaphore_mem>>)
      %dma_wait3A = arith.constant 0 : i32
      %dma_wait3A_195 = tpu.memref_slice %arg5[%add3A, %dma_wait3A] : memref<32x8192xi32, #tpu.memory_space<hbm>> -> memref<1x8192xi32, #tpu.memory_space<hbm>>
      %dma_wait3A_196 = tpu.memref_squeeze %dma_wait3A_195 : memref<1x8192xi32, #tpu.memory_space<hbm>> -> memref<8192xi32, #tpu.memory_space<hbm>>
      %dma_wait3A_197 = arith.constant 0 : i32
      %dma_wait3A_198 = tpu.memref_slice %arg5[%add3A, %dma_wait3A_197] : memref<32x8192xi32, #tpu.memory_space<hbm>> -> memref<1x8192xi32, #tpu.memory_space<hbm>>
      %dma_wait3A_199 = tpu.memref_squeeze %dma_wait3A_198 : memref<1x8192xi32, #tpu.memory_space<hbm>> -> memref<8192xi32, #tpu.memory_space<hbm>>
      tpu.wait_dma2 semaphore(%run_scoped3A : memref<!tpu.dma_semaphore, #tpu.memory_space<semaphore_mem>>) src(%dma_wait3A_199 : memref<8192xi32, #tpu.memory_space<hbm>>) dst(%arg13 : memref<8192xi32, #tpu.memory_space<vmem>>)
      tpu.yield
    }) : () -> ()
    %iota3A = tpu.iota {dimensions = array<i32: 0>} : vector<16xi32>
    %multiple_of3A = arith.constant 0 : i32
    %multiple_of3A_1 = tpu.assume_multiple %multiple_of3A, 16 : i32
    %get3A = arith.index_cast %multiple_of3A_1 : i32 to index
    %get3A_2 = tpu.vector_load %arg10[%get3A] {strides = array<i32>} : memref<8192xi32, #tpu.memory_space<vmem>>, vector<16xi32>,
    %slice3A = vector.extract_strided_slice %get3A_2 {offsets = [0], sizes = [1], strides = [1]} : vector<16xi32> to vector<1xi32>
    %squeeze3A = vector.extract %slice3A[0] : i32 from vector<1xi32>
    %multiple_of3A_3 = tpu.assume_multiple %squeeze3A, 128 : i32
    %dma_start3A = arith.constant 0 : i32
    %dma_start3A_4 = tpu.memref_slice %arg6[%dma_start3A, %multiple_of3A_3] : memref<64x1000000xf32, #tpu.memory_space<hbm>> -> memref<64x128xf32, #tpu.memory_space<hbm>>
    %dma_start3A_5 = arith.constant 0 : i32
    %dma_start3A_6 = tpu.memref_slice %arg6[%dma_start3A_5, %multiple_of3A_3] : memref<64x1000000xf32, #tpu.memory_space<hbm>> -> memref<64x128xf32, #tpu.memory_space<hbm>>
    tpu.enqueue_dma source(%dma_start3A_6 : memref<64x128xf32, #tpu.memory_space<hbm>>) target(%arg15 : memref<64x128xf32, #tpu.memory_space<vmem>>) target_semaphore(%arg23 : memref<!tpu.dma_semaphore, #tpu.memory_space<semaphore_mem>>)
    %multiple_of3A_7 = arith.constant 16 : i32
    %multiple_of3A_8 = tpu.assume_multiple %multiple_of3A_7, 16 : i32
    %get3A_9 = arith.index_cast %multiple_of3A_8 : i32 to index
    %get3A_10 = tpu.vector_load %arg10[%get3A_9] {strides = array<i32>} : memref<8192xi32, #tpu.memory_space<vmem>>, vector<16xi32>,
    %slice3A_11 = vector.extract_strided_slice %get3A_10 {offsets = [0], sizes = [1], strides = [1]} : vector<16xi32> to vector<1xi32>
    %squeeze3A_12 = vector.extract %slice3A_11[0] : i32 from vector<1xi32>
    %multiple_of3A_13 = tpu.assume_multiple %squeeze3A_12, 128 : i32
    %dma_start3A_14 = arith.constant 0 : i32
    %dma_start3A_15 = tpu.memref_slice %arg6[%dma_start3A_14, %multiple_of3A_13] : memref<64x1000000xf32, #tpu.memory_space<hbm>> -> memref<64x128xf32, #tpu.memory_space<hbm>>
    %dma_start3A_16 = arith.constant 0 : i32
    %dma_start3A_17 = tpu.memref_slice %arg6[%dma_start3A_16, %multiple_of3A_13] : memref<64x1000000xf32, #tpu.memory_space<hbm>> -> memref<64x128xf32, #tpu.memory_space<hbm>>
    tpu.enqueue_dma source(%dma_start3A_17 : memref<64x128xf32, #tpu.memory_space<hbm>>) target(%arg16 : memref<64x128xf32, #tpu.memory_space<vmem>>) target_semaphore(%arg24 : memref<!tpu.dma_semaphore, #tpu.memory_space<semaphore_mem>>)
    %multiple_of3A_18 = arith.constant 32 : i32
    %multiple_of3A_19 = tpu.assume_multiple %multiple_of3A_18, 16 : i32
    %get3A_20 = arith.index_cast %multiple_of3A_19 : i32 to index
    %get3A_21 = tpu.vector_load %arg10[%get3A_20] {strides = array<i32>} : memref<8192xi32, #tpu.memory_space<vmem>>, vector<16xi32>,
    %slice3A_22 = vector.extract_strided_slice %get3A_21 {offsets = [0], sizes = [1], strides = [1]} : vector<16xi32> to vector<1xi32>
    %squeeze3A_23 = vector.extract %slice3A_22[0] : i32 from vector<1xi32>
    %multiple_of3A_24 = tpu.assume_multiple %squeeze3A_23, 128 : i32
    %dma_start3A_25 = arith.constant 0 : i32
    %dma_start3A_26 = tpu.memref_slice %arg6[%dma_start3A_25, %multiple_of3A_24] : memref<64x1000000xf32, #tpu.memory_space<hbm>> -> memref<64x128xf32, #tpu.memory_space<hbm>>
    %dma_start3A_27 = arith.constant 0 : i32
    %dma_start3A_28 = tpu.memref_slice %arg6[%dma_start3A_27, %multiple_of3A_24] : memref<64x1000000xf32, #tpu.memory_space<hbm>> -> memref<64x128xf32, #tpu.memory_space<hbm>>
    tpu.enqueue_dma source(%dma_start3A_28 : memref<64x128xf32, #tpu.memory_space<hbm>>) target(%arg17 : memref<64x128xf32, #tpu.memory_space<vmem>>) target_semaphore(%arg25 : memref<!tpu.dma_semaphore, #tpu.memory_space<semaphore_mem>>)
    %multiple_of3A_29 = arith.constant 48 : i32
    %multiple_of3A_30 = tpu.assume_multiple %multiple_of3A_29, 16 : i32
    %get3A_31 = arith.index_cast %multiple_of3A_30 : i32 to index
    %get3A_32 = tpu.vector_load %arg10[%get3A_31] {strides = array<i32>} : memref<8192xi32, #tpu.memory_space<vmem>>, vector<16xi32>,
    %slice3A_33 = vector.extract_strided_slice %get3A_32 {offsets = [0], sizes = [1], strides = [1]} : vector<16xi32> to vector<1xi32>
    %squeeze3A_34 = vector.extract %slice3A_33[0] : i32 from vector<1xi32>
    %multiple_of3A_35 = tpu.assume_multiple %squeeze3A_34, 128 : i32
    %dma_start3A_36 = arith.constant 0 : i32
    %dma_start3A_37 = tpu.memref_slice %arg6[%dma_start3A_36, %multiple_of3A_35] : memref<64x1000000xf32, #tpu.memory_space<hbm>> -> memref<64x128xf32, #tpu.memory_space<hbm>>
    %dma_start3A_38 = arith.constant 0 : i32
    %dma_start3A_39 = tpu.memref_slice %arg6[%dma_start3A_38, %multiple_of3A_35] : memref<64x1000000xf32, #tpu.memory_space<hbm>> -> memref<64x128xf32, #tpu.memory_space<hbm>>
    tpu.enqueue_dma source(%dma_start3A_39 : memref<64x128xf32, #tpu.memory_space<hbm>>) target(%arg18 : memref<64x128xf32, #tpu.memory_space<vmem>>) target_semaphore(%arg26 : memref<!tpu.dma_semaphore, #tpu.memory_space<semaphore_mem>>)
    %multiple_of3A_40 = arith.constant 64 : i32
    %multiple_of3A_41 = tpu.assume_multiple %multiple_of3A_40, 16 : i32
    %get3A_42 = arith.index_cast %multiple_of3A_41 : i32 to index
    %get3A_43 = tpu.vector_load %arg10[%get3A_42] {strides = array<i32>} : memref<8192xi32, #tpu.memory_space<vmem>>, vector<16xi32>,
    %slice3A_44 = vector.extract_strided_slice %get3A_43 {offsets = [0], sizes = [1], strides = [1]} : vector<16xi32> to vector<1xi32>
    %squeeze3A_45 = vector.extract %slice3A_44[0] : i32 from vector<1xi32>
    %multiple_of3A_46 = tpu.assume_multiple %squeeze3A_45, 128 : i32
    %dma_start3A_47 = arith.constant 0 : i32
    %dma_start3A_48 = tpu.memref_slice %arg6[%dma_start3A_47, %multiple_of3A_46] : memref<64x1000000xf32, #tpu.memory_space<hbm>> -> memref<64x128xf32, #tpu.memory_space<hbm>>
    %dma_start3A_49 = arith.constant 0 : i32
    %dma_start3A_50 = tpu.memref_slice %arg6[%dma_start3A_49, %multiple_of3A_46] : memref<64x1000000xf32, #tpu.memory_space<hbm>> -> memref<64x128xf32, #tpu.memory_space<hbm>>
    tpu.enqueue_dma source(%dma_start3A_50 : memref<64x128xf32, #tpu.memory_space<hbm>>) target(%arg19 : memref<64x128xf32, #tpu.memory_space<vmem>>) target_semaphore(%arg27 : memref<!tpu.dma_semaphore, #tpu.memory_space<semaphore_mem>>)
    %multiple_of3A_51 = arith.constant 80 : i32
    %multiple_of3A_52 = tpu.assume_multiple %multiple_of3A_51, 16 : i32
    %get3A_53 = arith.index_cast %multiple_of3A_52 : i32 to index
    %get3A_54 = tpu.vector_load %arg10[%get3A_53] {strides = array<i32>} : memref<8192xi32, #tpu.memory_space<vmem>>, vector<16xi32>,
    %slice3A_55 = vector.extract_strided_slice %get3A_54 {offsets = [0], sizes = [1], strides = [1]} : vector<16xi32> to vector<1xi32>
    %squeeze3A_56 = vector.extract %slice3A_55[0] : i32 from vector<1xi32>
    %multiple_of3A_57 = tpu.assume_multiple %squeeze3A_56, 128 : i32
    %dma_start3A_58 = arith.constant 0 : i32
    %dma_start3A_59 = tpu.memref_slice %arg6[%dma_start3A_58, %multiple_of3A_57] : memref<64x1000000xf32, #tpu.memory_space<hbm>> -> memref<64x128xf32, #tpu.memory_space<hbm>>
    %dma_start3A_60 = arith.constant 0 : i32
    %dma_start3A_61 = tpu.memref_slice %arg6[%dma_start3A_60, %multiple_of3A_57] : memref<64x1000000xf32, #tpu.memory_space<hbm>> -> memref<64x128xf32, #tpu.memory_space<hbm>>
    tpu.enqueue_dma source(%dma_start3A_61 : memref<64x128xf32, #tpu.memory_space<hbm>>) target(%arg20 : memref<64x128xf32, #tpu.memory_space<vmem>>) target_semaphore(%arg28 : memref<!tpu.dma_semaphore, #tpu.memory_space<semaphore_mem>>)
    %multiple_of3A_62 = arith.constant 96 : i32
    %multiple_of3A_63 = tpu.assume_multiple %multiple_of3A_62, 16 : i32
    %get3A_64 = arith.index_cast %multiple_of3A_63 : i32 to index
    %get3A_65 = tpu.vector_load %arg10[%get3A_64] {strides = array<i32>} : memref<8192xi32, #tpu.memory_space<vmem>>, vector<16xi32>,
    %slice3A_66 = vector.extract_strided_slice %get3A_65 {offsets = [0], sizes = [1], strides = [1]} : vector<16xi32> to vector<1xi32>
    %squeeze3A_67 = vector.extract %slice3A_66[0] : i32 from vector<1xi32>
    %multiple_of3A_68 = tpu.assume_multiple %squeeze3A_67, 128 : i32
    %dma_start3A_69 = arith.constant 0 : i32
    %dma_start3A_70 = tpu.memref_slice %arg6[%dma_start3A_69, %multiple_of3A_68] : memref<64x1000000xf32, #tpu.memory_space<hbm>> -> memref<64x128xf32, #tpu.memory_space<hbm>>
    %dma_start3A_71 = arith.constant 0 : i32
    %dma_start3A_72 = tpu.memref_slice %arg6[%dma_start3A_71, %multiple_of3A_68] : memref<64x1000000xf32, #tpu.memory_space<hbm>> -> memref<64x128xf32, #tpu.memory_space<hbm>>
    tpu.enqueue_dma source(%dma_start3A_72 : memref<64x128xf32, #tpu.memory_space<hbm>>) target(%arg21 : memref<64x128xf32, #tpu.memory_space<vmem>>) target_semaphore(%arg29 : memref<!tpu.dma_semaphore, #tpu.memory_space<semaphore_mem>>)
    %multiple_of3A_73 = arith.constant 112 : i32
    %multiple_of3A_74 = tpu.assume_multiple %multiple_of3A_73, 16 : i32
    %get3A_75 = arith.index_cast %multiple_of3A_74 : i32 to index
    %get3A_76 = tpu.vector_load %arg10[%get3A_75] {strides = array<i32>} : memref<8192xi32, #tpu.memory_space<vmem>>, vector<16xi32>,
    %slice3A_77 = vector.extract_strided_slice %get3A_76 {offsets = [0], sizes = [1], strides = [1]} : vector<16xi32> to vector<1xi32>
    %squeeze3A_78 = vector.extract %slice3A_77[0] : i32 from vector<1xi32>
    %multiple_of3A_79 = tpu.assume_multiple %squeeze3A_78, 128 : i32
    %dma_start3A_80 = arith.constant 0 : i32
    %dma_start3A_81 = tpu.memref_slice %arg6[%dma_start3A_80, %multiple_of3A_79] : memref<64x1000000xf32, #tpu.memory_space<hbm>> -> memref<64x128xf32, #tpu.memory_space<hbm>>
    %dma_start3A_82 = arith.constant 0 : i32
    %dma_start3A_83 = tpu.memref_slice %arg6[%dma_start3A_82, %multiple_of3A_79] : memref<64x1000000xf32, #tpu.memory_space<hbm>> -> memref<64x128xf32, #tpu.memory_space<hbm>>
    tpu.enqueue_dma source(%dma_start3A_83 : memref<64x128xf32, #tpu.memory_space<hbm>>) target(%arg22 : memref<64x128xf32, #tpu.memory_space<vmem>>) target_semaphore(%arg30 : memref<!tpu.dma_semaphore, #tpu.memory_space<semaphore_mem>>)
    %scan3A = arith.constant 0 : i32
    %scan3A_84 = arith.constant 64 : i32
    %scan3A_85 = arith.addi %scan3A, %scan3A_84 : i32
    %scan3A_86 = arith.constant 1 : i32
    scf.for %scan3A_189 = %scan3A to %scan3A_85 step %scan3A_86  : i32 {
      %mul3A_190 = arith.constant 8 : i32
      %mul3A_191 = arith.muli %scan3A_189, %mul3A_190 : i32
      %add3A_192 = arith.constant 0 : i32
      %add3A_193 = arith.addi %add3A_192, %mul3A_191 : i32
      %add3A_194 = arith.constant 0 : i32
      %add3A_195 = arith.addi %add3A_193, %add3A_194 : i32
      %dma_wait3A = arith.constant 0 : i32
      %dma_wait3A_196 = arith.constant 0 : i32
      %dma_wait3A_197 = tpu.memref_slice %arg6[%dma_wait3A, %dma_wait3A_196] : memref<64x1000000xf32, #tpu.memory_space<hbm>> -> memref<64x128xf32, #tpu.memory_space<hbm>>
      %dma_wait3A_198 = arith.constant 0 : i32
      %dma_wait3A_199 = arith.constant 0 : i32
      %dma_wait3A_200 = tpu.memref_slice %arg6[%dma_wait3A_198, %dma_wait3A_199] : memref<64x1000000xf32, #tpu.memory_space<hbm>> -> memref<64x128xf32, #tpu.memory_space<hbm>>
      tpu.wait_dma2 semaphore(%arg23 : memref<!tpu.dma_semaphore, #tpu.memory_space<semaphore_mem>>) src(%dma_wait3A_200 : memref<64x128xf32, #tpu.memory_space<hbm>>) dst(%arg15 : memref<64x128xf32, #tpu.memory_space<vmem>>)
      %mul3A_201 = arith.constant 16 : i32
      %mul3A_202 = arith.muli %add3A_195, %mul3A_201 : i32
      %multiple_of3A_203 = tpu.assume_multiple %mul3A_202, 16 : i32
      %get3A_204 = arith.index_cast %multiple_of3A_203 : i32 to index
      %get3A_205 = tpu.vector_load %arg11[%get3A_204] {strides = array<i32>} : memref<8192xi32, #tpu.memory_space<vmem>>, vector<16xi32>,
      %add3A_206 = arith.constant 0 : i32
      %add3A_207 = vector.broadcast %add3A_206 : i32 to vector<16xi32>
      %add3A_208 = arith.addi %iota3A, %add3A_207 : vector<16xi32>
      %gather3A = tpu.vector_load_idx %arg15[%add3A_208, %get3A_205] : memref<64x128xf32, #tpu.memory_space<vmem>>[vector<16xi32>, vector<16xi32>], vector<16xf32>,
      %mul3A_209 = arith.constant 64 : i32
      %mul3A_210 = arith.muli %add3A_195, %mul3A_209 : i32
      %add3A_211 = arith.constant 0 : i32
      %add3A_212 = arith.addi %mul3A_210, %add3A_211 : i32
      %multiple_of3A_213 = tpu.assume_multiple %add3A_212, 16 : i32
      %swap3A = arith.index_cast %multiple_of3A_213 : i32 to index
      %swap3A_214 = tpu.vector_load %arg14[%swap3A] {strides = array<i32>} : memref<32768xf32, #tpu.memory_space<vmem>>, vector<16xf32>,
      tpu.vector_store %arg14[%swap3A], %gather3A {strides = array<i32>} : memref<32768xf32, #tpu.memory_space<vmem>>, vector<16xf32>,
      %add3A_215 = arith.constant 16 : i32
      %add3A_216 = vector.broadcast %add3A_215 : i32 to vector<16xi32>
      %add3A_217 = arith.addi %iota3A, %add3A_216 : vector<16xi32>
      %gather3A_218 = tpu.vector_load_idx %arg15[%add3A_217, %get3A_205] : memref<64x128xf32, #tpu.memory_space<vmem>>[vector<16xi32>, vector<16xi32>], vector<16xf32>,
      %mul3A_219 = arith.constant 64 : i32
      %mul3A_220 = arith.muli %add3A_195, %mul3A_219 : i32
      %add3A_221 = arith.constant 16 : i32
      %add3A_222 = arith.addi %mul3A_220, %add3A_221 : i32
      %multiple_of3A_223 = tpu.assume_multiple %add3A_222, 16 : i32
      %swap3A_224 = arith.index_cast %multiple_of3A_223 : i32 to index
      %swap3A_225 = tpu.vector_load %arg14[%swap3A_224] {strides = array<i32>} : memref<32768xf32, #tpu.memory_space<vmem>>, vector<16xf32>,
      tpu.vector_store %arg14[%swap3A_224], %gather3A_218 {strides = array<i32>} : memref<32768xf32, #tpu.memory_space<vmem>>, vector<16xf32>,
      %add3A_226 = arith.constant 32 : i32
      %add3A_227 = vector.broadcast %add3A_226 : i32 to vector<16xi32>
      %add3A_228 = arith.addi %iota3A, %add3A_227 : vector<16xi32>
      %gather3A_229 = tpu.vector_load_idx %arg15[%add3A_228, %get3A_205] : memref<64x128xf32, #tpu.memory_space<vmem>>[vector<16xi32>, vector<16xi32>], vector<16xf32>,
      %mul3A_230 = arith.constant 64 : i32
      %mul3A_231 = arith.muli %add3A_195, %mul3A_230 : i32
      %add3A_232 = arith.constant 32 : i32
      %add3A_233 = arith.addi %mul3A_231, %add3A_232 : i32
      %multiple_of3A_234 = tpu.assume_multiple %add3A_233, 16 : i32
      %swap3A_235 = arith.index_cast %multiple_of3A_234 : i32 to index
      %swap3A_236 = tpu.vector_load %arg14[%swap3A_235] {strides = array<i32>} : memref<32768xf32, #tpu.memory_space<vmem>>, vector<16xf32>,
      tpu.vector_store %arg14[%swap3A_235], %gather3A_229 {strides = array<i32>} : memref<32768xf32, #tpu.memory_space<vmem>>, vector<16xf32>,
      %add3A_237 = arith.constant 48 : i32
      %add3A_238 = vector.broadcast %add3A_237 : i32 to vector<16xi32>
      %add3A_239 = arith.addi %iota3A, %add3A_238 : vector<16xi32>
      %gather3A_240 = tpu.vector_load_idx %arg15[%add3A_239, %get3A_205] : memref<64x128xf32, #tpu.memory_space<vmem>>[vector<16xi32>, vector<16xi32>], vector<16xf32>,
      %mul3A_241 = arith.constant 64 : i32
      %mul3A_242 = arith.muli %add3A_195, %mul3A_241 : i32
      %add3A_243 = arith.constant 48 : i32
      %add3A_244 = arith.addi %mul3A_242, %add3A_243 : i32
      %multiple_of3A_245 = tpu.assume_multiple %add3A_244, 16 : i32
      %swap3A_246 = arith.index_cast %multiple_of3A_245 : i32 to index
      %swap3A_247 = tpu.vector_load %arg14[%swap3A_246] {strides = array<i32>} : memref<32768xf32, #tpu.memory_space<vmem>>, vector<16xf32>,
      tpu.vector_store %arg14[%swap3A_246], %gather3A_240 {strides = array<i32>} : memref<32768xf32, #tpu.memory_space<vmem>>, vector<16xf32>,
      %add3A_248 = arith.constant 8 : i32
      %add3A_249 = arith.addi %add3A_193, %add3A_248 : i32
      %add3A_250 = arith.constant 0 : i32
      %add3A_251 = arith.addi %add3A_249, %add3A_250 : i32
      %lt3A = arith.constant 512 : i32
      %lt3A_252 = arith.cmpi slt, %add3A_251, %lt3A : i32
      %convert_element_type3A = arith.extui %lt3A_252 : i1 to i32
      %cond3A = arith.constant 0 : i32
      %cond3A_253 = arith.cmpi ne, %convert_element_type3A, %cond3A : i32
      scf.if %cond3A_253 {
        %add3A_716 = arith.constant 8 : i32
        %add3A_717 = arith.addi %add3A_193, %add3A_716 : i32
        %add3A_718 = arith.constant 0 : i32
        %add3A_719 = arith.addi %add3A_717, %add3A_718 : i32
        %mul3A_720 = arith.constant 16 : i32
        %mul3A_721 = arith.muli %add3A_719, %mul3A_720 : i32
        %multiple_of3A_722 = tpu.assume_multiple %mul3A_721, 16 : i32
        %get3A_723 = arith.index_cast %multiple_of3A_722 : i32 to index
        %get3A_724 = tpu.vector_load %arg10[%get3A_723] {strides = array<i32>} : memref<8192xi32, #tpu.memory_space<vmem>>, vector<16xi32>,
        %slice3A_725 = vector.extract_strided_slice %get3A_724 {offsets = [0], sizes = [1], strides = [1]} : vector<16xi32> to vector<1xi32>
        %squeeze3A_726 = vector.extract %slice3A_725[0] : i32 from vector<1xi32>
        %multiple_of3A_727 = tpu.assume_multiple %squeeze3A_726, 128 : i32
        %dma_start3A_728 = arith.constant 0 : i32
        %dma_start3A_729 = tpu.memref_slice %arg6[%dma_start3A_728, %multiple_of3A_727] : memref<64x1000000xf32, #tpu.memory_space<hbm>> -> memref<64x128xf32, #tpu.memory_space<hbm>>
        %dma_start3A_730 = arith.constant 0 : i32
        %dma_start3A_731 = tpu.memref_slice %arg6[%dma_start3A_730, %multiple_of3A_727] : memref<64x1000000xf32, #tpu.memory_space<hbm>> -> memref<64x128xf32, #tpu.memory_space<hbm>>
        tpu.enqueue_dma source(%dma_start3A_731 : memref<64x128xf32, #tpu.memory_space<hbm>>) target(%arg15 : memref<64x128xf32, #tpu.memory_space<vmem>>) target_semaphore(%arg23 : memref<!tpu.dma_semaphore, #tpu.memory_space<semaphore_mem>>)
      } else {
      }
      %add3A_254 = arith.constant 1 : i32
      %add3A_255 = arith.addi %add3A_193, %add3A_254 : i32
      %dma_wait3A_256 = arith.constant 0 : i32
      %dma_wait3A_257 = arith.constant 0 : i32
      %dma_wait3A_258 = tpu.memref_slice %arg6[%dma_wait3A_256, %dma_wait3A_257] : memref<64x1000000xf32, #tpu.memory_space<hbm>> -> memref<64x128xf32, #tpu.memory_space<hbm>>
      %dma_wait3A_259 = arith.constant 0 : i32
      %dma_wait3A_260 = arith.constant 0 : i32
      %dma_wait3A_261 = tpu.memref_slice %arg6[%dma_wait3A_259, %dma_wait3A_260] : memref<64x1000000xf32, #tpu.memory_space<hbm>> -> memref<64x128xf32, #tpu.memory_space<hbm>>
      tpu.wait_dma2 semaphore(%arg24 : memref<!tpu.dma_semaphore, #tpu.memory_space<semaphore_mem>>) src(%dma_wait3A_261 : memref<64x128xf32, #tpu.memory_space<hbm>>) dst(%arg16 : memref<64x128xf32, #tpu.memory_space<vmem>>)
      %mul3A_262 = arith.constant 16 : i32
      %mul3A_263 = arith.muli %add3A_255, %mul3A_262 : i32
      %multiple_of3A_264 = tpu.assume_multiple %mul3A_263, 16 : i32
      %get3A_265 = arith.index_cast %multiple_of3A_264 : i32 to index
      %get3A_266 = tpu.vector_load %arg11[%get3A_265] {strides = array<i32>} : memref<8192xi32, #tpu.memory_space<vmem>>, vector<16xi32>,
      %add3A_267 = arith.constant 0 : i32
      %add3A_268 = vector.broadcast %add3A_267 : i32 to vector<16xi32>
      %add3A_269 = arith.addi %iota3A, %add3A_268 : vector<16xi32>
      %gather3A_270 = tpu.vector_load_idx %arg16[%add3A_269, %get3A_266] : memref<64x128xf32, #tpu.memory_space<vmem>>[vector<16xi32>, vector<16xi32>], vector<16xf32>,
      %mul3A_271 = arith.constant 64 : i32
      %mul3A_272 = arith.muli %add3A_255, %mul3A_271 : i32
      %add3A_273 = arith.constant 0 : i32
      %add3A_274 = arith.addi %mul3A_272, %add3A_273 : i32
      %multiple_of3A_275 = tpu.assume_multiple %add3A_274, 16 : i32
      %swap3A_276 = arith.index_cast %multiple_of3A_275 : i32 to index
      %swap3A_277 = tpu.vector_load %arg14[%swap3A_276] {strides = array<i32>} : memref<32768xf32, #tpu.memory_space<vmem>>, vector<16xf32>,
      tpu.vector_store %arg14[%swap3A_276], %gather3A_270 {strides = array<i32>} : memref<32768xf32, #tpu.memory_space<vmem>>, vector<16xf32>,
      %add3A_278 = arith.constant 16 : i32
      %add3A_279 = vector.broadcast %add3A_278 : i32 to vector<16xi32>
      %add3A_280 = arith.addi %iota3A, %add3A_279 : vector<16xi32>
      %gather3A_281 = tpu.vector_load_idx %arg16[%add3A_280, %get3A_266] : memref<64x128xf32, #tpu.memory_space<vmem>>[vector<16xi32>, vector<16xi32>], vector<16xf32>,
      %mul3A_282 = arith.constant 64 : i32
      %mul3A_283 = arith.muli %add3A_255, %mul3A_282 : i32
      %add3A_284 = arith.constant 16 : i32
      %add3A_285 = arith.addi %mul3A_283, %add3A_284 : i32
      %multiple_of3A_286 = tpu.assume_multiple %add3A_285, 16 : i32
      %swap3A_287 = arith.index_cast %multiple_of3A_286 : i32 to index
      %swap3A_288 = tpu.vector_load %arg14[%swap3A_287] {strides = array<i32>} : memref<32768xf32, #tpu.memory_space<vmem>>, vector<16xf32>,
      tpu.vector_store %arg14[%swap3A_287], %gather3A_281 {strides = array<i32>} : memref<32768xf32, #tpu.memory_space<vmem>>, vector<16xf32>,
      %add3A_289 = arith.constant 32 : i32
      %add3A_290 = vector.broadcast %add3A_289 : i32 to vector<16xi32>
      %add3A_291 = arith.addi %iota3A, %add3A_290 : vector<16xi32>
      %gather3A_292 = tpu.vector_load_idx %arg16[%add3A_291, %get3A_266] : memref<64x128xf32, #tpu.memory_space<vmem>>[vector<16xi32>, vector<16xi32>], vector<16xf32>,
      %mul3A_293 = arith.constant 64 : i32
      %mul3A_294 = arith.muli %add3A_255, %mul3A_293 : i32
      %add3A_295 = arith.constant 32 : i32
      %add3A_296 = arith.addi %mul3A_294, %add3A_295 : i32
      %multiple_of3A_297 = tpu.assume_multiple %add3A_296, 16 : i32
      %swap3A_298 = arith.index_cast %multiple_of3A_297 : i32 to index
      %swap3A_299 = tpu.vector_load %arg14[%swap3A_298] {strides = array<i32>} : memref<32768xf32, #tpu.memory_space<vmem>>, vector<16xf32>,
      tpu.vector_store %arg14[%swap3A_298], %gather3A_292 {strides = array<i32>} : memref<32768xf32, #tpu.memory_space<vmem>>, vector<16xf32>,
      %add3A_300 = arith.constant 48 : i32
      %add3A_301 = vector.broadcast %add3A_300 : i32 to vector<16xi32>
      %add3A_302 = arith.addi %iota3A, %add3A_301 : vector<16xi32>
      %gather3A_303 = tpu.vector_load_idx %arg16[%add3A_302, %get3A_266] : memref<64x128xf32, #tpu.memory_space<vmem>>[vector<16xi32>, vector<16xi32>], vector<16xf32>,
      %mul3A_304 = arith.constant 64 : i32
      %mul3A_305 = arith.muli %add3A_255, %mul3A_304 : i32
      %add3A_306 = arith.constant 48 : i32
      %add3A_307 = arith.addi %mul3A_305, %add3A_306 : i32
      %multiple_of3A_308 = tpu.assume_multiple %add3A_307, 16 : i32
      %swap3A_309 = arith.index_cast %multiple_of3A_308 : i32 to index
      %swap3A_310 = tpu.vector_load %arg14[%swap3A_309] {strides = array<i32>} : memref<32768xf32, #tpu.memory_space<vmem>>, vector<16xf32>,
      tpu.vector_store %arg14[%swap3A_309], %gather3A_303 {strides = array<i32>} : memref<32768xf32, #tpu.memory_space<vmem>>, vector<16xf32>,
      %add3A_311 = arith.constant 8 : i32
      %add3A_312 = arith.addi %add3A_193, %add3A_311 : i32
      %add3A_313 = arith.constant 1 : i32
      %add3A_314 = arith.addi %add3A_312, %add3A_313 : i32
      %lt3A_315 = arith.constant 512 : i32
      %lt3A_316 = arith.cmpi slt, %add3A_314, %lt3A_315 : i32
      %convert_element_type3A_317 = arith.extui %lt3A_316 : i1 to i32
      %cond3A_318 = arith.constant 0 : i32
      %cond3A_319 = arith.cmpi ne, %convert_element_type3A_317, %cond3A_318 : i32
      scf.if %cond3A_319 {
        %add3A_716 = arith.constant 8 : i32
        %add3A_717 = arith.addi %add3A_193, %add3A_716 : i32
        %add3A_718 = arith.constant 1 : i32
        %add3A_719 = arith.addi %add3A_717, %add3A_718 : i32
        %mul3A_720 = arith.constant 16 : i32
        %mul3A_721 = arith.muli %add3A_719, %mul3A_720 : i32
        %multiple_of3A_722 = tpu.assume_multiple %mul3A_721, 16 : i32
        %get3A_723 = arith.index_cast %multiple_of3A_722 : i32 to index
        %get3A_724 = tpu.vector_load %arg10[%get3A_723] {strides = array<i32>} : memref<8192xi32, #tpu.memory_space<vmem>>, vector<16xi32>,
        %slice3A_725 = vector.extract_strided_slice %get3A_724 {offsets = [0], sizes = [1], strides = [1]} : vector<16xi32> to vector<1xi32>
        %squeeze3A_726 = vector.extract %slice3A_725[0] : i32 from vector<1xi32>
        %multiple_of3A_727 = tpu.assume_multiple %squeeze3A_726, 128 : i32
        %dma_start3A_728 = arith.constant 0 : i32
        %dma_start3A_729 = tpu.memref_slice %arg6[%dma_start3A_728, %multiple_of3A_727] : memref<64x1000000xf32, #tpu.memory_space<hbm>> -> memref<64x128xf32, #tpu.memory_space<hbm>>
        %dma_start3A_730 = arith.constant 0 : i32
        %dma_start3A_731 = tpu.memref_slice %arg6[%dma_start3A_730, %multiple_of3A_727] : memref<64x1000000xf32, #tpu.memory_space<hbm>> -> memref<64x128xf32, #tpu.memory_space<hbm>>
        tpu.enqueue_dma source(%dma_start3A_731 : memref<64x128xf32, #tpu.memory_space<hbm>>) target(%arg16 : memref<64x128xf32, #tpu.memory_space<vmem>>) target_semaphore(%arg24 : memref<!tpu.dma_semaphore, #tpu.memory_space<semaphore_mem>>)
      } else {
      }
      %add3A_320 = arith.constant 2 : i32
      %add3A_321 = arith.addi %add3A_193, %add3A_320 : i32
      %dma_wait3A_322 = arith.constant 0 : i32
      %dma_wait3A_323 = arith.constant 0 : i32
      %dma_wait3A_324 = tpu.memref_slice %arg6[%dma_wait3A_322, %dma_wait3A_323] : memref<64x1000000xf32, #tpu.memory_space<hbm>> -> memref<64x128xf32, #tpu.memory_space<hbm>>
      %dma_wait3A_325 = arith.constant 0 : i32
      %dma_wait3A_326 = arith.constant 0 : i32
      %dma_wait3A_327 = tpu.memref_slice %arg6[%dma_wait3A_325, %dma_wait3A_326] : memref<64x1000000xf32, #tpu.memory_space<hbm>> -> memref<64x128xf32, #tpu.memory_space<hbm>>
      tpu.wait_dma2 semaphore(%arg25 : memref<!tpu.dma_semaphore, #tpu.memory_space<semaphore_mem>>) src(%dma_wait3A_327 : memref<64x128xf32, #tpu.memory_space<hbm>>) dst(%arg17 : memref<64x128xf32, #tpu.memory_space<vmem>>)
      %mul3A_328 = arith.constant 16 : i32
      %mul3A_329 = arith.muli %add3A_321, %mul3A_328 : i32
      %multiple_of3A_330 = tpu.assume_multiple %mul3A_329, 16 : i32
      %get3A_331 = arith.index_cast %multiple_of3A_330 : i32 to index
      %get3A_332 = tpu.vector_load %arg11[%get3A_331] {strides = array<i32>} : memref<8192xi32, #tpu.memory_space<vmem>>, vector<16xi32>,
      %add3A_333 = arith.constant 0 : i32
      %add3A_334 = vector.broadcast %add3A_333 : i32 to vector<16xi32>
      %add3A_335 = arith.addi %iota3A, %add3A_334 : vector<16xi32>
      %gather3A_336 = tpu.vector_load_idx %arg17[%add3A_335, %get3A_332] : memref<64x128xf32, #tpu.memory_space<vmem>>[vector<16xi32>, vector<16xi32>], vector<16xf32>,
      %mul3A_337 = arith.constant 64 : i32
      %mul3A_338 = arith.muli %add3A_321, %mul3A_337 : i32
      %add3A_339 = arith.constant 0 : i32
      %add3A_340 = arith.addi %mul3A_338, %add3A_339 : i32
      %multiple_of3A_341 = tpu.assume_multiple %add3A_340, 16 : i32
      %swap3A_342 = arith.index_cast %multiple_of3A_341 : i32 to index
      %swap3A_343 = tpu.vector_load %arg14[%swap3A_342] {strides = array<i32>} : memref<32768xf32, #tpu.memory_space<vmem>>, vector<16xf32>,
      tpu.vector_store %arg14[%swap3A_342], %gather3A_336 {strides = array<i32>} : memref<32768xf32, #tpu.memory_space<vmem>>, vector<16xf32>,
      %add3A_344 = arith.constant 16 : i32
      %add3A_345 = vector.broadcast %add3A_344 : i32 to vector<16xi32>
      %add3A_346 = arith.addi %iota3A, %add3A_345 : vector<16xi32>
      %gather3A_347 = tpu.vector_load_idx %arg17[%add3A_346, %get3A_332] : memref<64x128xf32, #tpu.memory_space<vmem>>[vector<16xi32>, vector<16xi32>], vector<16xf32>,
      %mul3A_348 = arith.constant 64 : i32
      %mul3A_349 = arith.muli %add3A_321, %mul3A_348 : i32
      %add3A_350 = arith.constant 16 : i32
      %add3A_351 = arith.addi %mul3A_349, %add3A_350 : i32
      %multiple_of3A_352 = tpu.assume_multiple %add3A_351, 16 : i32
      %swap3A_353 = arith.index_cast %multiple_of3A_352 : i32 to index
      %swap3A_354 = tpu.vector_load %arg14[%swap3A_353] {strides = array<i32>} : memref<32768xf32, #tpu.memory_space<vmem>>, vector<16xf32>,
      tpu.vector_store %arg14[%swap3A_353], %gather3A_347 {strides = array<i32>} : memref<32768xf32, #tpu.memory_space<vmem>>, vector<16xf32>,
      %add3A_355 = arith.constant 32 : i32
      %add3A_356 = vector.broadcast %add3A_355 : i32 to vector<16xi32>
      %add3A_357 = arith.addi %iota3A, %add3A_356 : vector<16xi32>
      %gather3A_358 = tpu.vector_load_idx %arg17[%add3A_357, %get3A_332] : memref<64x128xf32, #tpu.memory_space<vmem>>[vector<16xi32>, vector<16xi32>], vector<16xf32>,
      %mul3A_359 = arith.constant 64 : i32
      %mul3A_360 = arith.muli %add3A_321, %mul3A_359 : i32
      %add3A_361 = arith.constant 32 : i32
      %add3A_362 = arith.addi %mul3A_360, %add3A_361 : i32
      %multiple_of3A_363 = tpu.assume_multiple %add3A_362, 16 : i32
      %swap3A_364 = arith.index_cast %multiple_of3A_363 : i32 to index
      %swap3A_365 = tpu.vector_load %arg14[%swap3A_364] {strides = array<i32>} : memref<32768xf32, #tpu.memory_space<vmem>>, vector<16xf32>,
      tpu.vector_store %arg14[%swap3A_364], %gather3A_358 {strides = array<i32>} : memref<32768xf32, #tpu.memory_space<vmem>>, vector<16xf32>,
      %add3A_366 = arith.constant 48 : i32
      %add3A_367 = vector.broadcast %add3A_366 : i32 to vector<16xi32>
      %add3A_368 = arith.addi %iota3A, %add3A_367 : vector<16xi32>
      %gather3A_369 = tpu.vector_load_idx %arg17[%add3A_368, %get3A_332] : memref<64x128xf32, #tpu.memory_space<vmem>>[vector<16xi32>, vector<16xi32>], vector<16xf32>,
      %mul3A_370 = arith.constant 64 : i32
      %mul3A_371 = arith.muli %add3A_321, %mul3A_370 : i32
      %add3A_372 = arith.constant 48 : i32
      %add3A_373 = arith.addi %mul3A_371, %add3A_372 : i32
      %multiple_of3A_374 = tpu.assume_multiple %add3A_373, 16 : i32
      %swap3A_375 = arith.index_cast %multiple_of3A_374 : i32 to index
      %swap3A_376 = tpu.vector_load %arg14[%swap3A_375] {strides = array<i32>} : memref<32768xf32, #tpu.memory_space<vmem>>, vector<16xf32>,
      tpu.vector_store %arg14[%swap3A_375], %gather3A_369 {strides = array<i32>} : memref<32768xf32, #tpu.memory_space<vmem>>, vector<16xf32>,
      %add3A_377 = arith.constant 8 : i32
      %add3A_378 = arith.addi %add3A_193, %add3A_377 : i32
      %add3A_379 = arith.constant 2 : i32
      %add3A_380 = arith.addi %add3A_378, %add3A_379 : i32
      %lt3A_381 = arith.constant 512 : i32
      %lt3A_382 = arith.cmpi slt, %add3A_380, %lt3A_381 : i32
      %convert_element_type3A_383 = arith.extui %lt3A_382 : i1 to i32
      %cond3A_384 = arith.constant 0 : i32
      %cond3A_385 = arith.cmpi ne, %convert_element_type3A_383, %cond3A_384 : i32
      scf.if %cond3A_385 {
        %add3A_716 = arith.constant 8 : i32
        %add3A_717 = arith.addi %add3A_193, %add3A_716 : i32
        %add3A_718 = arith.constant 2 : i32
        %add3A_719 = arith.addi %add3A_717, %add3A_718 : i32
        %mul3A_720 = arith.constant 16 : i32
        %mul3A_721 = arith.muli %add3A_719, %mul3A_720 : i32
        %multiple_of3A_722 = tpu.assume_multiple %mul3A_721, 16 : i32
        %get3A_723 = arith.index_cast %multiple_of3A_722 : i32 to index
        %get3A_724 = tpu.vector_load %arg10[%get3A_723] {strides = array<i32>} : memref<8192xi32, #tpu.memory_space<vmem>>, vector<16xi32>,
        %slice3A_725 = vector.extract_strided_slice %get3A_724 {offsets = [0], sizes = [1], strides = [1]} : vector<16xi32> to vector<1xi32>
        %squeeze3A_726 = vector.extract %slice3A_725[0] : i32 from vector<1xi32>
        %multiple_of3A_727 = tpu.assume_multiple %squeeze3A_726, 128 : i32
        %dma_start3A_728 = arith.constant 0 : i32
        %dma_start3A_729 = tpu.memref_slice %arg6[%dma_start3A_728, %multiple_of3A_727] : memref<64x1000000xf32, #tpu.memory_space<hbm>> -> memref<64x128xf32, #tpu.memory_space<hbm>>
        %dma_start3A_730 = arith.constant 0 : i32
        %dma_start3A_731 = tpu.memref_slice %arg6[%dma_start3A_730, %multiple_of3A_727] : memref<64x1000000xf32, #tpu.memory_space<hbm>> -> memref<64x128xf32, #tpu.memory_space<hbm>>
        tpu.enqueue_dma source(%dma_start3A_731 : memref<64x128xf32, #tpu.memory_space<hbm>>) target(%arg17 : memref<64x128xf32, #tpu.memory_space<vmem>>) target_semaphore(%arg25 : memref<!tpu.dma_semaphore, #tpu.memory_space<semaphore_mem>>)
      } else {
      }
      %add3A_386 = arith.constant 3 : i32
      %add3A_387 = arith.addi %add3A_193, %add3A_386 : i32
      %dma_wait3A_388 = arith.constant 0 : i32
      %dma_wait3A_389 = arith.constant 0 : i32
      %dma_wait3A_390 = tpu.memref_slice %arg6[%dma_wait3A_388, %dma_wait3A_389] : memref<64x1000000xf32, #tpu.memory_space<hbm>> -> memref<64x128xf32, #tpu.memory_space<hbm>>
      %dma_wait3A_391 = arith.constant 0 : i32
      %dma_wait3A_392 = arith.constant 0 : i32
      %dma_wait3A_393 = tpu.memref_slice %arg6[%dma_wait3A_391, %dma_wait3A_392] : memref<64x1000000xf32, #tpu.memory_space<hbm>> -> memref<64x128xf32, #tpu.memory_space<hbm>>
      tpu.wait_dma2 semaphore(%arg26 : memref<!tpu.dma_semaphore, #tpu.memory_space<semaphore_mem>>) src(%dma_wait3A_393 : memref<64x128xf32, #tpu.memory_space<hbm>>) dst(%arg18 : memref<64x128xf32, #tpu.memory_space<vmem>>)
      %mul3A_394 = arith.constant 16 : i32
      %mul3A_395 = arith.muli %add3A_387, %mul3A_394 : i32
      %multiple_of3A_396 = tpu.assume_multiple %mul3A_395, 16 : i32
      %get3A_397 = arith.index_cast %multiple_of3A_396 : i32 to index
      %get3A_398 = tpu.vector_load %arg11[%get3A_397] {strides = array<i32>} : memref<8192xi32, #tpu.memory_space<vmem>>, vector<16xi32>,
      %add3A_399 = arith.constant 0 : i32
      %add3A_400 = vector.broadcast %add3A_399 : i32 to vector<16xi32>
      %add3A_401 = arith.addi %iota3A, %add3A_400 : vector<16xi32>
      %gather3A_402 = tpu.vector_load_idx %arg18[%add3A_401, %get3A_398] : memref<64x128xf32, #tpu.memory_space<vmem>>[vector<16xi32>, vector<16xi32>], vector<16xf32>,
      %mul3A_403 = arith.constant 64 : i32
      %mul3A_404 = arith.muli %add3A_387, %mul3A_403 : i32
      %add3A_405 = arith.constant 0 : i32
      %add3A_406 = arith.addi %mul3A_404, %add3A_405 : i32
      %multiple_of3A_407 = tpu.assume_multiple %add3A_406, 16 : i32
      %swap3A_408 = arith.index_cast %multiple_of3A_407 : i32 to index
      %swap3A_409 = tpu.vector_load %arg14[%swap3A_408] {strides = array<i32>} : memref<32768xf32, #tpu.memory_space<vmem>>, vector<16xf32>,
      tpu.vector_store %arg14[%swap3A_408], %gather3A_402 {strides = array<i32>} : memref<32768xf32, #tpu.memory_space<vmem>>, vector<16xf32>,
      %add3A_410 = arith.constant 16 : i32
      %add3A_411 = vector.broadcast %add3A_410 : i32 to vector<16xi32>
      %add3A_412 = arith.addi %iota3A, %add3A_411 : vector<16xi32>
      %gather3A_413 = tpu.vector_load_idx %arg18[%add3A_412, %get3A_398] : memref<64x128xf32, #tpu.memory_space<vmem>>[vector<16xi32>, vector<16xi32>], vector<16xf32>,
      %mul3A_414 = arith.constant 64 : i32
      %mul3A_415 = arith.muli %add3A_387, %mul3A_414 : i32
      %add3A_416 = arith.constant 16 : i32
      %add3A_417 = arith.addi %mul3A_415, %add3A_416 : i32
      %multiple_of3A_418 = tpu.assume_multiple %add3A_417, 16 : i32
      %swap3A_419 = arith.index_cast %multiple_of3A_418 : i32 to index
      %swap3A_420 = tpu.vector_load %arg14[%swap3A_419] {strides = array<i32>} : memref<32768xf32, #tpu.memory_space<vmem>>, vector<16xf32>,
      tpu.vector_store %arg14[%swap3A_419], %gather3A_413 {strides = array<i32>} : memref<32768xf32, #tpu.memory_space<vmem>>, vector<16xf32>,
      %add3A_421 = arith.constant 32 : i32
      %add3A_422 = vector.broadcast %add3A_421 : i32 to vector<16xi32>
      %add3A_423 = arith.addi %iota3A, %add3A_422 : vector<16xi32>
      %gather3A_424 = tpu.vector_load_idx %arg18[%add3A_423, %get3A_398] : memref<64x128xf32, #tpu.memory_space<vmem>>[vector<16xi32>, vector<16xi32>], vector<16xf32>,
      %mul3A_425 = arith.constant 64 : i32
      %mul3A_426 = arith.muli %add3A_387, %mul3A_425 : i32
      %add3A_427 = arith.constant 32 : i32
      %add3A_428 = arith.addi %mul3A_426, %add3A_427 : i32
      %multiple_of3A_429 = tpu.assume_multiple %add3A_428, 16 : i32
      %swap3A_430 = arith.index_cast %multiple_of3A_429 : i32 to index
      %swap3A_431 = tpu.vector_load %arg14[%swap3A_430] {strides = array<i32>} : memref<32768xf32, #tpu.memory_space<vmem>>, vector<16xf32>,
      tpu.vector_store %arg14[%swap3A_430], %gather3A_424 {strides = array<i32>} : memref<32768xf32, #tpu.memory_space<vmem>>, vector<16xf32>,
      %add3A_432 = arith.constant 48 : i32
      %add3A_433 = vector.broadcast %add3A_432 : i32 to vector<16xi32>
      %add3A_434 = arith.addi %iota3A, %add3A_433 : vector<16xi32>
      %gather3A_435 = tpu.vector_load_idx %arg18[%add3A_434, %get3A_398] : memref<64x128xf32, #tpu.memory_space<vmem>>[vector<16xi32>, vector<16xi32>], vector<16xf32>,
      %mul3A_436 = arith.constant 64 : i32
      %mul3A_437 = arith.muli %add3A_387, %mul3A_436 : i32
      %add3A_438 = arith.constant 48 : i32
      %add3A_439 = arith.addi %mul3A_437, %add3A_438 : i32
      %multiple_of3A_440 = tpu.assume_multiple %add3A_439, 16 : i32
      %swap3A_441 = arith.index_cast %multiple_of3A_440 : i32 to index
      %swap3A_442 = tpu.vector_load %arg14[%swap3A_441] {strides = array<i32>} : memref<32768xf32, #tpu.memory_space<vmem>>, vector<16xf32>,
      tpu.vector_store %arg14[%swap3A_441], %gather3A_435 {strides = array<i32>} : memref<32768xf32, #tpu.memory_space<vmem>>, vector<16xf32>,
      %add3A_443 = arith.constant 8 : i32
      %add3A_444 = arith.addi %add3A_193, %add3A_443 : i32
      %add3A_445 = arith.constant 3 : i32
      %add3A_446 = arith.addi %add3A_444, %add3A_445 : i32
      %lt3A_447 = arith.constant 512 : i32
      %lt3A_448 = arith.cmpi slt, %add3A_446, %lt3A_447 : i32
      %convert_element_type3A_449 = arith.extui %lt3A_448 : i1 to i32
      %cond3A_450 = arith.constant 0 : i32
      %cond3A_451 = arith.cmpi ne, %convert_element_type3A_449, %cond3A_450 : i32
      scf.if %cond3A_451 {
        %add3A_716 = arith.constant 8 : i32
        %add3A_717 = arith.addi %add3A_193, %add3A_716 : i32
        %add3A_718 = arith.constant 3 : i32
        %add3A_719 = arith.addi %add3A_717, %add3A_718 : i32
        %mul3A_720 = arith.constant 16 : i32
        %mul3A_721 = arith.muli %add3A_719, %mul3A_720 : i32
        %multiple_of3A_722 = tpu.assume_multiple %mul3A_721, 16 : i32
        %get3A_723 = arith.index_cast %multiple_of3A_722 : i32 to index
        %get3A_724 = tpu.vector_load %arg10[%get3A_723] {strides = array<i32>} : memref<8192xi32, #tpu.memory_space<vmem>>, vector<16xi32>,
        %slice3A_725 = vector.extract_strided_slice %get3A_724 {offsets = [0], sizes = [1], strides = [1]} : vector<16xi32> to vector<1xi32>
        %squeeze3A_726 = vector.extract %slice3A_725[0] : i32 from vector<1xi32>
        %multiple_of3A_727 = tpu.assume_multiple %squeeze3A_726, 128 : i32
        %dma_start3A_728 = arith.constant 0 : i32
        %dma_start3A_729 = tpu.memref_slice %arg6[%dma_start3A_728, %multiple_of3A_727] : memref<64x1000000xf32, #tpu.memory_space<hbm>> -> memref<64x128xf32, #tpu.memory_space<hbm>>
        %dma_start3A_730 = arith.constant 0 : i32
        %dma_start3A_731 = tpu.memref_slice %arg6[%dma_start3A_730, %multiple_of3A_727] : memref<64x1000000xf32, #tpu.memory_space<hbm>> -> memref<64x128xf32, #tpu.memory_space<hbm>>
        tpu.enqueue_dma source(%dma_start3A_731 : memref<64x128xf32, #tpu.memory_space<hbm>>) target(%arg18 : memref<64x128xf32, #tpu.memory_space<vmem>>) target_semaphore(%arg26 : memref<!tpu.dma_semaphore, #tpu.memory_space<semaphore_mem>>)
      } else {
      }
      %add3A_452 = arith.constant 4 : i32
      %add3A_453 = arith.addi %add3A_193, %add3A_452 : i32
      %dma_wait3A_454 = arith.constant 0 : i32
      %dma_wait3A_455 = arith.constant 0 : i32
      %dma_wait3A_456 = tpu.memref_slice %arg6[%dma_wait3A_454, %dma_wait3A_455] : memref<64x1000000xf32, #tpu.memory_space<hbm>> -> memref<64x128xf32, #tpu.memory_space<hbm>>
      %dma_wait3A_457 = arith.constant 0 : i32
      %dma_wait3A_458 = arith.constant 0 : i32
      %dma_wait3A_459 = tpu.memref_slice %arg6[%dma_wait3A_457, %dma_wait3A_458] : memref<64x1000000xf32, #tpu.memory_space<hbm>> -> memref<64x128xf32, #tpu.memory_space<hbm>>
      tpu.wait_dma2 semaphore(%arg27 : memref<!tpu.dma_semaphore, #tpu.memory_space<semaphore_mem>>) src(%dma_wait3A_459 : memref<64x128xf32, #tpu.memory_space<hbm>>) dst(%arg19 : memref<64x128xf32, #tpu.memory_space<vmem>>)
      %mul3A_460 = arith.constant 16 : i32
      %mul3A_461 = arith.muli %add3A_453, %mul3A_460 : i32
      %multiple_of3A_462 = tpu.assume_multiple %mul3A_461, 16 : i32
      %get3A_463 = arith.index_cast %multiple_of3A_462 : i32 to index
      %get3A_464 = tpu.vector_load %arg11[%get3A_463] {strides = array<i32>} : memref<8192xi32, #tpu.memory_space<vmem>>, vector<16xi32>,
      %add3A_465 = arith.constant 0 : i32
      %add3A_466 = vector.broadcast %add3A_465 : i32 to vector<16xi32>
      %add3A_467 = arith.addi %iota3A, %add3A_466 : vector<16xi32>
      %gather3A_468 = tpu.vector_load_idx %arg19[%add3A_467, %get3A_464] : memref<64x128xf32, #tpu.memory_space<vmem>>[vector<16xi32>, vector<16xi32>], vector<16xf32>,
      %mul3A_469 = arith.constant 64 : i32
      %mul3A_470 = arith.muli %add3A_453, %mul3A_469 : i32
      %add3A_471 = arith.constant 0 : i32
      %add3A_472 = arith.addi %mul3A_470, %add3A_471 : i32
      %multiple_of3A_473 = tpu.assume_multiple %add3A_472, 16 : i32
      %swap3A_474 = arith.index_cast %multiple_of3A_473 : i32 to index
      %swap3A_475 = tpu.vector_load %arg14[%swap3A_474] {strides = array<i32>} : memref<32768xf32, #tpu.memory_space<vmem>>, vector<16xf32>,
      tpu.vector_store %arg14[%swap3A_474], %gather3A_468 {strides = array<i32>} : memref<32768xf32, #tpu.memory_space<vmem>>, vector<16xf32>,
      %add3A_476 = arith.constant 16 : i32
      %add3A_477 = vector.broadcast %add3A_476 : i32 to vector<16xi32>
      %add3A_478 = arith.addi %iota3A, %add3A_477 : vector<16xi32>
      %gather3A_479 = tpu.vector_load_idx %arg19[%add3A_478, %get3A_464] : memref<64x128xf32, #tpu.memory_space<vmem>>[vector<16xi32>, vector<16xi32>], vector<16xf32>,
      %mul3A_480 = arith.constant 64 : i32
      %mul3A_481 = arith.muli %add3A_453, %mul3A_480 : i32
      %add3A_482 = arith.constant 16 : i32
      %add3A_483 = arith.addi %mul3A_481, %add3A_482 : i32
      %multiple_of3A_484 = tpu.assume_multiple %add3A_483, 16 : i32
      %swap3A_485 = arith.index_cast %multiple_of3A_484 : i32 to index
      %swap3A_486 = tpu.vector_load %arg14[%swap3A_485] {strides = array<i32>} : memref<32768xf32, #tpu.memory_space<vmem>>, vector<16xf32>,
      tpu.vector_store %arg14[%swap3A_485], %gather3A_479 {strides = array<i32>} : memref<32768xf32, #tpu.memory_space<vmem>>, vector<16xf32>,
      %add3A_487 = arith.constant 32 : i32
      %add3A_488 = vector.broadcast %add3A_487 : i32 to vector<16xi32>
      %add3A_489 = arith.addi %iota3A, %add3A_488 : vector<16xi32>
      %gather3A_490 = tpu.vector_load_idx %arg19[%add3A_489, %get3A_464] : memref<64x128xf32, #tpu.memory_space<vmem>>[vector<16xi32>, vector<16xi32>], vector<16xf32>,
      %mul3A_491 = arith.constant 64 : i32
      %mul3A_492 = arith.muli %add3A_453, %mul3A_491 : i32
      %add3A_493 = arith.constant 32 : i32
      %add3A_494 = arith.addi %mul3A_492, %add3A_493 : i32
      %multiple_of3A_495 = tpu.assume_multiple %add3A_494, 16 : i32
      %swap3A_496 = arith.index_cast %multiple_of3A_495 : i32 to index
      %swap3A_497 = tpu.vector_load %arg14[%swap3A_496] {strides = array<i32>} : memref<32768xf32, #tpu.memory_space<vmem>>, vector<16xf32>,
      tpu.vector_store %arg14[%swap3A_496], %gather3A_490 {strides = array<i32>} : memref<32768xf32, #tpu.memory_space<vmem>>, vector<16xf32>,
      %add3A_498 = arith.constant 48 : i32
      %add3A_499 = vector.broadcast %add3A_498 : i32 to vector<16xi32>
      %add3A_500 = arith.addi %iota3A, %add3A_499 : vector<16xi32>
      %gather3A_501 = tpu.vector_load_idx %arg19[%add3A_500, %get3A_464] : memref<64x128xf32, #tpu.memory_space<vmem>>[vector<16xi32>, vector<16xi32>], vector<16xf32>,
      %mul3A_502 = arith.constant 64 : i32
      %mul3A_503 = arith.muli %add3A_453, %mul3A_502 : i32
      %add3A_504 = arith.constant 48 : i32
      %add3A_505 = arith.addi %mul3A_503, %add3A_504 : i32
      %multiple_of3A_506 = tpu.assume_multiple %add3A_505, 16 : i32
      %swap3A_507 = arith.index_cast %multiple_of3A_506 : i32 to index
      %swap3A_508 = tpu.vector_load %arg14[%swap3A_507] {strides = array<i32>} : memref<32768xf32, #tpu.memory_space<vmem>>, vector<16xf32>,
      tpu.vector_store %arg14[%swap3A_507], %gather3A_501 {strides = array<i32>} : memref<32768xf32, #tpu.memory_space<vmem>>, vector<16xf32>,
      %add3A_509 = arith.constant 8 : i32
      %add3A_510 = arith.addi %add3A_193, %add3A_509 : i32
      %add3A_511 = arith.constant 4 : i32
      %add3A_512 = arith.addi %add3A_510, %add3A_511 : i32
      %lt3A_513 = arith.constant 512 : i32
      %lt3A_514 = arith.cmpi slt, %add3A_512, %lt3A_513 : i32
      %convert_element_type3A_515 = arith.extui %lt3A_514 : i1 to i32
      %cond3A_516 = arith.constant 0 : i32
      %cond3A_517 = arith.cmpi ne, %convert_element_type3A_515, %cond3A_516 : i32
      scf.if %cond3A_517 {
        %add3A_716 = arith.constant 8 : i32
        %add3A_717 = arith.addi %add3A_193, %add3A_716 : i32
        %add3A_718 = arith.constant 4 : i32
        %add3A_719 = arith.addi %add3A_717, %add3A_718 : i32
        %mul3A_720 = arith.constant 16 : i32
        %mul3A_721 = arith.muli %add3A_719, %mul3A_720 : i32
        %multiple_of3A_722 = tpu.assume_multiple %mul3A_721, 16 : i32
        %get3A_723 = arith.index_cast %multiple_of3A_722 : i32 to index
        %get3A_724 = tpu.vector_load %arg10[%get3A_723] {strides = array<i32>} : memref<8192xi32, #tpu.memory_space<vmem>>, vector<16xi32>,
        %slice3A_725 = vector.extract_strided_slice %get3A_724 {offsets = [0], sizes = [1], strides = [1]} : vector<16xi32> to vector<1xi32>
        %squeeze3A_726 = vector.extract %slice3A_725[0] : i32 from vector<1xi32>
        %multiple_of3A_727 = tpu.assume_multiple %squeeze3A_726, 128 : i32
        %dma_start3A_728 = arith.constant 0 : i32
        %dma_start3A_729 = tpu.memref_slice %arg6[%dma_start3A_728, %multiple_of3A_727] : memref<64x1000000xf32, #tpu.memory_space<hbm>> -> memref<64x128xf32, #tpu.memory_space<hbm>>
        %dma_start3A_730 = arith.constant 0 : i32
        %dma_start3A_731 = tpu.memref_slice %arg6[%dma_start3A_730, %multiple_of3A_727] : memref<64x1000000xf32, #tpu.memory_space<hbm>> -> memref<64x128xf32, #tpu.memory_space<hbm>>
        tpu.enqueue_dma source(%dma_start3A_731 : memref<64x128xf32, #tpu.memory_space<hbm>>) target(%arg19 : memref<64x128xf32, #tpu.memory_space<vmem>>) target_semaphore(%arg27 : memref<!tpu.dma_semaphore, #tpu.memory_space<semaphore_mem>>)
      } else {
      }
      %add3A_518 = arith.constant 5 : i32
      %add3A_519 = arith.addi %add3A_193, %add3A_518 : i32
      %dma_wait3A_520 = arith.constant 0 : i32
      %dma_wait3A_521 = arith.constant 0 : i32
      %dma_wait3A_522 = tpu.memref_slice %arg6[%dma_wait3A_520, %dma_wait3A_521] : memref<64x1000000xf32, #tpu.memory_space<hbm>> -> memref<64x128xf32, #tpu.memory_space<hbm>>
      %dma_wait3A_523 = arith.constant 0 : i32
      %dma_wait3A_524 = arith.constant 0 : i32
      %dma_wait3A_525 = tpu.memref_slice %arg6[%dma_wait3A_523, %dma_wait3A_524] : memref<64x1000000xf32, #tpu.memory_space<hbm>> -> memref<64x128xf32, #tpu.memory_space<hbm>>
      tpu.wait_dma2 semaphore(%arg28 : memref<!tpu.dma_semaphore, #tpu.memory_space<semaphore_mem>>) src(%dma_wait3A_525 : memref<64x128xf32, #tpu.memory_space<hbm>>) dst(%arg20 : memref<64x128xf32, #tpu.memory_space<vmem>>)
      %mul3A_526 = arith.constant 16 : i32
      %mul3A_527 = arith.muli %add3A_519, %mul3A_526 : i32
      %multiple_of3A_528 = tpu.assume_multiple %mul3A_527, 16 : i32
      %get3A_529 = arith.index_cast %multiple_of3A_528 : i32 to index
      %get3A_530 = tpu.vector_load %arg11[%get3A_529] {strides = array<i32>} : memref<8192xi32, #tpu.memory_space<vmem>>, vector<16xi32>,
      %add3A_531 = arith.constant 0 : i32
      %add3A_532 = vector.broadcast %add3A_531 : i32 to vector<16xi32>
      %add3A_533 = arith.addi %iota3A, %add3A_532 : vector<16xi32>
      %gather3A_534 = tpu.vector_load_idx %arg20[%add3A_533, %get3A_530] : memref<64x128xf32, #tpu.memory_space<vmem>>[vector<16xi32>, vector<16xi32>], vector<16xf32>,
      %mul3A_535 = arith.constant 64 : i32
      %mul3A_536 = arith.muli %add3A_519, %mul3A_535 : i32
      %add3A_537 = arith.constant 0 : i32
      %add3A_538 = arith.addi %mul3A_536, %add3A_537 : i32
      %multiple_of3A_539 = tpu.assume_multiple %add3A_538, 16 : i32
      %swap3A_540 = arith.index_cast %multiple_of3A_539 : i32 to index
      %swap3A_541 = tpu.vector_load %arg14[%swap3A_540] {strides = array<i32>} : memref<32768xf32, #tpu.memory_space<vmem>>, vector<16xf32>,
      tpu.vector_store %arg14[%swap3A_540], %gather3A_534 {strides = array<i32>} : memref<32768xf32, #tpu.memory_space<vmem>>, vector<16xf32>,
      %add3A_542 = arith.constant 16 : i32
      %add3A_543 = vector.broadcast %add3A_542 : i32 to vector<16xi32>
      %add3A_544 = arith.addi %iota3A, %add3A_543 : vector<16xi32>
      %gather3A_545 = tpu.vector_load_idx %arg20[%add3A_544, %get3A_530] : memref<64x128xf32, #tpu.memory_space<vmem>>[vector<16xi32>, vector<16xi32>], vector<16xf32>,
      %mul3A_546 = arith.constant 64 : i32
      %mul3A_547 = arith.muli %add3A_519, %mul3A_546 : i32
      %add3A_548 = arith.constant 16 : i32
      %add3A_549 = arith.addi %mul3A_547, %add3A_548 : i32
      %multiple_of3A_550 = tpu.assume_multiple %add3A_549, 16 : i32
      %swap3A_551 = arith.index_cast %multiple_of3A_550 : i32 to index
      %swap3A_552 = tpu.vector_load %arg14[%swap3A_551] {strides = array<i32>} : memref<32768xf32, #tpu.memory_space<vmem>>, vector<16xf32>,
      tpu.vector_store %arg14[%swap3A_551], %gather3A_545 {strides = array<i32>} : memref<32768xf32, #tpu.memory_space<vmem>>, vector<16xf32>,
      %add3A_553 = arith.constant 32 : i32
      %add3A_554 = vector.broadcast %add3A_553 : i32 to vector<16xi32>
      %add3A_555 = arith.addi %iota3A, %add3A_554 : vector<16xi32>
      %gather3A_556 = tpu.vector_load_idx %arg20[%add3A_555, %get3A_530] : memref<64x128xf32, #tpu.memory_space<vmem>>[vector<16xi32>, vector<16xi32>], vector<16xf32>,
      %mul3A_557 = arith.constant 64 : i32
      %mul3A_558 = arith.muli %add3A_519, %mul3A_557 : i32
      %add3A_559 = arith.constant 32 : i32
      %add3A_560 = arith.addi %mul3A_558, %add3A_559 : i32
      %multiple_of3A_561 = tpu.assume_multiple %add3A_560, 16 : i32
      %swap3A_562 = arith.index_cast %multiple_of3A_561 : i32 to index
      %swap3A_563 = tpu.vector_load %arg14[%swap3A_562] {strides = array<i32>} : memref<32768xf32, #tpu.memory_space<vmem>>, vector<16xf32>,
      tpu.vector_store %arg14[%swap3A_562], %gather3A_556 {strides = array<i32>} : memref<32768xf32, #tpu.memory_space<vmem>>, vector<16xf32>,
      %add3A_564 = arith.constant 48 : i32
      %add3A_565 = vector.broadcast %add3A_564 : i32 to vector<16xi32>
      %add3A_566 = arith.addi %iota3A, %add3A_565 : vector<16xi32>
      %gather3A_567 = tpu.vector_load_idx %arg20[%add3A_566, %get3A_530] : memref<64x128xf32, #tpu.memory_space<vmem>>[vector<16xi32>, vector<16xi32>], vector<16xf32>,
      %mul3A_568 = arith.constant 64 : i32
      %mul3A_569 = arith.muli %add3A_519, %mul3A_568 : i32
      %add3A_570 = arith.constant 48 : i32
      %add3A_571 = arith.addi %mul3A_569, %add3A_570 : i32
      %multiple_of3A_572 = tpu.assume_multiple %add3A_571, 16 : i32
      %swap3A_573 = arith.index_cast %multiple_of3A_572 : i32 to index
      %swap3A_574 = tpu.vector_load %arg14[%swap3A_573] {strides = array<i32>} : memref<32768xf32, #tpu.memory_space<vmem>>, vector<16xf32>,
      tpu.vector_store %arg14[%swap3A_573], %gather3A_567 {strides = array<i32>} : memref<32768xf32, #tpu.memory_space<vmem>>, vector<16xf32>,
      %add3A_575 = arith.constant 8 : i32
      %add3A_576 = arith.addi %add3A_193, %add3A_575 : i32
      %add3A_577 = arith.constant 5 : i32
      %add3A_578 = arith.addi %add3A_576, %add3A_577 : i32
      %lt3A_579 = arith.constant 512 : i32
      %lt3A_580 = arith.cmpi slt, %add3A_578, %lt3A_579 : i32
      %convert_element_type3A_581 = arith.extui %lt3A_580 : i1 to i32
      %cond3A_582 = arith.constant 0 : i32
      %cond3A_583 = arith.cmpi ne, %convert_element_type3A_581, %cond3A_582 : i32
      scf.if %cond3A_583 {
        %add3A_716 = arith.constant 8 : i32
        %add3A_717 = arith.addi %add3A_193, %add3A_716 : i32
        %add3A_718 = arith.constant 5 : i32
        %add3A_719 = arith.addi %add3A_717, %add3A_718 : i32
        %mul3A_720 = arith.constant 16 : i32
        %mul3A_721 = arith.muli %add3A_719, %mul3A_720 : i32
        %multiple_of3A_722 = tpu.assume_multiple %mul3A_721, 16 : i32
        %get3A_723 = arith.index_cast %multiple_of3A_722 : i32 to index
        %get3A_724 = tpu.vector_load %arg10[%get3A_723] {strides = array<i32>} : memref<8192xi32, #tpu.memory_space<vmem>>, vector<16xi32>,
        %slice3A_725 = vector.extract_strided_slice %get3A_724 {offsets = [0], sizes = [1], strides = [1]} : vector<16xi32> to vector<1xi32>
        %squeeze3A_726 = vector.extract %slice3A_725[0] : i32 from vector<1xi32>
        %multiple_of3A_727 = tpu.assume_multiple %squeeze3A_726, 128 : i32
        %dma_start3A_728 = arith.constant 0 : i32
        %dma_start3A_729 = tpu.memref_slice %arg6[%dma_start3A_728, %multiple_of3A_727] : memref<64x1000000xf32, #tpu.memory_space<hbm>> -> memref<64x128xf32, #tpu.memory_space<hbm>>
        %dma_start3A_730 = arith.constant 0 : i32
        %dma_start3A_731 = tpu.memref_slice %arg6[%dma_start3A_730, %multiple_of3A_727] : memref<64x1000000xf32, #tpu.memory_space<hbm>> -> memref<64x128xf32, #tpu.memory_space<hbm>>
        tpu.enqueue_dma source(%dma_start3A_731 : memref<64x128xf32, #tpu.memory_space<hbm>>) target(%arg20 : memref<64x128xf32, #tpu.memory_space<vmem>>) target_semaphore(%arg28 : memref<!tpu.dma_semaphore, #tpu.memory_space<semaphore_mem>>)
      } else {
      }
      %add3A_584 = arith.constant 6 : i32
      %add3A_585 = arith.addi %add3A_193, %add3A_584 : i32
      %dma_wait3A_586 = arith.constant 0 : i32
      %dma_wait3A_587 = arith.constant 0 : i32
      %dma_wait3A_588 = tpu.memref_slice %arg6[%dma_wait3A_586, %dma_wait3A_587] : memref<64x1000000xf32, #tpu.memory_space<hbm>> -> memref<64x128xf32, #tpu.memory_space<hbm>>
      %dma_wait3A_589 = arith.constant 0 : i32
      %dma_wait3A_590 = arith.constant 0 : i32
      %dma_wait3A_591 = tpu.memref_slice %arg6[%dma_wait3A_589, %dma_wait3A_590] : memref<64x1000000xf32, #tpu.memory_space<hbm>> -> memref<64x128xf32, #tpu.memory_space<hbm>>
      tpu.wait_dma2 semaphore(%arg29 : memref<!tpu.dma_semaphore, #tpu.memory_space<semaphore_mem>>) src(%dma_wait3A_591 : memref<64x128xf32, #tpu.memory_space<hbm>>) dst(%arg21 : memref<64x128xf32, #tpu.memory_space<vmem>>)
      %mul3A_592 = arith.constant 16 : i32
      %mul3A_593 = arith.muli %add3A_585, %mul3A_592 : i32
      %multiple_of3A_594 = tpu.assume_multiple %mul3A_593, 16 : i32
      %get3A_595 = arith.index_cast %multiple_of3A_594 : i32 to index
      %get3A_596 = tpu.vector_load %arg11[%get3A_595] {strides = array<i32>} : memref<8192xi32, #tpu.memory_space<vmem>>, vector<16xi32>,
      %add3A_597 = arith.constant 0 : i32
      %add3A_598 = vector.broadcast %add3A_597 : i32 to vector<16xi32>
      %add3A_599 = arith.addi %iota3A, %add3A_598 : vector<16xi32>
      %gather3A_600 = tpu.vector_load_idx %arg21[%add3A_599, %get3A_596] : memref<64x128xf32, #tpu.memory_space<vmem>>[vector<16xi32>, vector<16xi32>], vector<16xf32>,
      %mul3A_601 = arith.constant 64 : i32
      %mul3A_602 = arith.muli %add3A_585, %mul3A_601 : i32
      %add3A_603 = arith.constant 0 : i32
      %add3A_604 = arith.addi %mul3A_602, %add3A_603 : i32
      %multiple_of3A_605 = tpu.assume_multiple %add3A_604, 16 : i32
      %swap3A_606 = arith.index_cast %multiple_of3A_605 : i32 to index
      %swap3A_607 = tpu.vector_load %arg14[%swap3A_606] {strides = array<i32>} : memref<32768xf32, #tpu.memory_space<vmem>>, vector<16xf32>,
      tpu.vector_store %arg14[%swap3A_606], %gather3A_600 {strides = array<i32>} : memref<32768xf32, #tpu.memory_space<vmem>>, vector<16xf32>,
      %add3A_608 = arith.constant 16 : i32
      %add3A_609 = vector.broadcast %add3A_608 : i32 to vector<16xi32>
      %add3A_610 = arith.addi %iota3A, %add3A_609 : vector<16xi32>
      %gather3A_611 = tpu.vector_load_idx %arg21[%add3A_610, %get3A_596] : memref<64x128xf32, #tpu.memory_space<vmem>>[vector<16xi32>, vector<16xi32>], vector<16xf32>,
      %mul3A_612 = arith.constant 64 : i32
      %mul3A_613 = arith.muli %add3A_585, %mul3A_612 : i32
      %add3A_614 = arith.constant 16 : i32
      %add3A_615 = arith.addi %mul3A_613, %add3A_614 : i32
      %multiple_of3A_616 = tpu.assume_multiple %add3A_615, 16 : i32
      %swap3A_617 = arith.index_cast %multiple_of3A_616 : i32 to index
      %swap3A_618 = tpu.vector_load %arg14[%swap3A_617] {strides = array<i32>} : memref<32768xf32, #tpu.memory_space<vmem>>, vector<16xf32>,
      tpu.vector_store %arg14[%swap3A_617], %gather3A_611 {strides = array<i32>} : memref<32768xf32, #tpu.memory_space<vmem>>, vector<16xf32>,
      %add3A_619 = arith.constant 32 : i32
      %add3A_620 = vector.broadcast %add3A_619 : i32 to vector<16xi32>
      %add3A_621 = arith.addi %iota3A, %add3A_620 : vector<16xi32>
      %gather3A_622 = tpu.vector_load_idx %arg21[%add3A_621, %get3A_596] : memref<64x128xf32, #tpu.memory_space<vmem>>[vector<16xi32>, vector<16xi32>], vector<16xf32>,
      %mul3A_623 = arith.constant 64 : i32
      %mul3A_624 = arith.muli %add3A_585, %mul3A_623 : i32
      %add3A_625 = arith.constant 32 : i32
      %add3A_626 = arith.addi %mul3A_624, %add3A_625 : i32
      %multiple_of3A_627 = tpu.assume_multiple %add3A_626, 16 : i32
      %swap3A_628 = arith.index_cast %multiple_of3A_627 : i32 to index
      %swap3A_629 = tpu.vector_load %arg14[%swap3A_628] {strides = array<i32>} : memref<32768xf32, #tpu.memory_space<vmem>>, vector<16xf32>,
      tpu.vector_store %arg14[%swap3A_628], %gather3A_622 {strides = array<i32>} : memref<32768xf32, #tpu.memory_space<vmem>>, vector<16xf32>,
      %add3A_630 = arith.constant 48 : i32
      %add3A_631 = vector.broadcast %add3A_630 : i32 to vector<16xi32>
      %add3A_632 = arith.addi %iota3A, %add3A_631 : vector<16xi32>
      %gather3A_633 = tpu.vector_load_idx %arg21[%add3A_632, %get3A_596] : memref<64x128xf32, #tpu.memory_space<vmem>>[vector<16xi32>, vector<16xi32>], vector<16xf32>,
      %mul3A_634 = arith.constant 64 : i32
      %mul3A_635 = arith.muli %add3A_585, %mul3A_634 : i32
      %add3A_636 = arith.constant 48 : i32
      %add3A_637 = arith.addi %mul3A_635, %add3A_636 : i32
      %multiple_of3A_638 = tpu.assume_multiple %add3A_637, 16 : i32
      %swap3A_639 = arith.index_cast %multiple_of3A_638 : i32 to index
      %swap3A_640 = tpu.vector_load %arg14[%swap3A_639] {strides = array<i32>} : memref<32768xf32, #tpu.memory_space<vmem>>, vector<16xf32>,
      tpu.vector_store %arg14[%swap3A_639], %gather3A_633 {strides = array<i32>} : memref<32768xf32, #tpu.memory_space<vmem>>, vector<16xf32>,
      %add3A_641 = arith.constant 8 : i32
      %add3A_642 = arith.addi %add3A_193, %add3A_641 : i32
      %add3A_643 = arith.constant 6 : i32
      %add3A_644 = arith.addi %add3A_642, %add3A_643 : i32
      %lt3A_645 = arith.constant 512 : i32
      %lt3A_646 = arith.cmpi slt, %add3A_644, %lt3A_645 : i32
      %convert_element_type3A_647 = arith.extui %lt3A_646 : i1 to i32
      %cond3A_648 = arith.constant 0 : i32
      %cond3A_649 = arith.cmpi ne, %convert_element_type3A_647, %cond3A_648 : i32
      scf.if %cond3A_649 {
        %add3A_716 = arith.constant 8 : i32
        %add3A_717 = arith.addi %add3A_193, %add3A_716 : i32
        %add3A_718 = arith.constant 6 : i32
        %add3A_719 = arith.addi %add3A_717, %add3A_718 : i32
        %mul3A_720 = arith.constant 16 : i32
        %mul3A_721 = arith.muli %add3A_719, %mul3A_720 : i32
        %multiple_of3A_722 = tpu.assume_multiple %mul3A_721, 16 : i32
        %get3A_723 = arith.index_cast %multiple_of3A_722 : i32 to index
        %get3A_724 = tpu.vector_load %arg10[%get3A_723] {strides = array<i32>} : memref<8192xi32, #tpu.memory_space<vmem>>, vector<16xi32>,
        %slice3A_725 = vector.extract_strided_slice %get3A_724 {offsets = [0], sizes = [1], strides = [1]} : vector<16xi32> to vector<1xi32>
        %squeeze3A_726 = vector.extract %slice3A_725[0] : i32 from vector<1xi32>
        %multiple_of3A_727 = tpu.assume_multiple %squeeze3A_726, 128 : i32
        %dma_start3A_728 = arith.constant 0 : i32
        %dma_start3A_729 = tpu.memref_slice %arg6[%dma_start3A_728, %multiple_of3A_727] : memref<64x1000000xf32, #tpu.memory_space<hbm>> -> memref<64x128xf32, #tpu.memory_space<hbm>>
        %dma_start3A_730 = arith.constant 0 : i32
        %dma_start3A_731 = tpu.memref_slice %arg6[%dma_start3A_730, %multiple_of3A_727] : memref<64x1000000xf32, #tpu.memory_space<hbm>> -> memref<64x128xf32, #tpu.memory_space<hbm>>
        tpu.enqueue_dma source(%dma_start3A_731 : memref<64x128xf32, #tpu.memory_space<hbm>>) target(%arg21 : memref<64x128xf32, #tpu.memory_space<vmem>>) target_semaphore(%arg29 : memref<!tpu.dma_semaphore, #tpu.memory_space<semaphore_mem>>)
      } else {
      }
      %add3A_650 = arith.constant 7 : i32
      %add3A_651 = arith.addi %add3A_193, %add3A_650 : i32
      %dma_wait3A_652 = arith.constant 0 : i32
      %dma_wait3A_653 = arith.constant 0 : i32
      %dma_wait3A_654 = tpu.memref_slice %arg6[%dma_wait3A_652, %dma_wait3A_653] : memref<64x1000000xf32, #tpu.memory_space<hbm>> -> memref<64x128xf32, #tpu.memory_space<hbm>>
      %dma_wait3A_655 = arith.constant 0 : i32
      %dma_wait3A_656 = arith.constant 0 : i32
      %dma_wait3A_657 = tpu.memref_slice %arg6[%dma_wait3A_655, %dma_wait3A_656] : memref<64x1000000xf32, #tpu.memory_space<hbm>> -> memref<64x128xf32, #tpu.memory_space<hbm>>
      tpu.wait_dma2 semaphore(%arg30 : memref<!tpu.dma_semaphore, #tpu.memory_space<semaphore_mem>>) src(%dma_wait3A_657 : memref<64x128xf32, #tpu.memory_space<hbm>>) dst(%arg22 : memref<64x128xf32, #tpu.memory_space<vmem>>)
      %mul3A_658 = arith.constant 16 : i32
      %mul3A_659 = arith.muli %add3A_651, %mul3A_658 : i32
      %multiple_of3A_660 = tpu.assume_multiple %mul3A_659, 16 : i32
      %get3A_661 = arith.index_cast %multiple_of3A_660 : i32 to index
      %get3A_662 = tpu.vector_load %arg11[%get3A_661] {strides = array<i32>} : memref<8192xi32, #tpu.memory_space<vmem>>, vector<16xi32>,
      %add3A_663 = arith.constant 0 : i32
      %add3A_664 = vector.broadcast %add3A_663 : i32 to vector<16xi32>
      %add3A_665 = arith.addi %iota3A, %add3A_664 : vector<16xi32>
      %gather3A_666 = tpu.vector_load_idx %arg22[%add3A_665, %get3A_662] : memref<64x128xf32, #tpu.memory_space<vmem>>[vector<16xi32>, vector<16xi32>], vector<16xf32>,
      %mul3A_667 = arith.constant 64 : i32
      %mul3A_668 = arith.muli %add3A_651, %mul3A_667 : i32
      %add3A_669 = arith.constant 0 : i32
      %add3A_670 = arith.addi %mul3A_668, %add3A_669 : i32
      %multiple_of3A_671 = tpu.assume_multiple %add3A_670, 16 : i32
      %swap3A_672 = arith.index_cast %multiple_of3A_671 : i32 to index
      %swap3A_673 = tpu.vector_load %arg14[%swap3A_672] {strides = array<i32>} : memref<32768xf32, #tpu.memory_space<vmem>>, vector<16xf32>,
      tpu.vector_store %arg14[%swap3A_672], %gather3A_666 {strides = array<i32>} : memref<32768xf32, #tpu.memory_space<vmem>>, vector<16xf32>,
      %add3A_674 = arith.constant 16 : i32
      %add3A_675 = vector.broadcast %add3A_674 : i32 to vector<16xi32>
      %add3A_676 = arith.addi %iota3A, %add3A_675 : vector<16xi32>
      %gather3A_677 = tpu.vector_load_idx %arg22[%add3A_676, %get3A_662] : memref<64x128xf32, #tpu.memory_space<vmem>>[vector<16xi32>, vector<16xi32>], vector<16xf32>,
      %mul3A_678 = arith.constant 64 : i32
      %mul3A_679 = arith.muli %add3A_651, %mul3A_678 : i32
      %add3A_680 = arith.constant 16 : i32
      %add3A_681 = arith.addi %mul3A_679, %add3A_680 : i32
      %multiple_of3A_682 = tpu.assume_multiple %add3A_681, 16 : i32
      %swap3A_683 = arith.index_cast %multiple_of3A_682 : i32 to index
      %swap3A_684 = tpu.vector_load %arg14[%swap3A_683] {strides = array<i32>} : memref<32768xf32, #tpu.memory_space<vmem>>, vector<16xf32>,
      tpu.vector_store %arg14[%swap3A_683], %gather3A_677 {strides = array<i32>} : memref<32768xf32, #tpu.memory_space<vmem>>, vector<16xf32>,
      %add3A_685 = arith.constant 32 : i32
      %add3A_686 = vector.broadcast %add3A_685 : i32 to vector<16xi32>
      %add3A_687 = arith.addi %iota3A, %add3A_686 : vector<16xi32>
      %gather3A_688 = tpu.vector_load_idx %arg22[%add3A_687, %get3A_662] : memref<64x128xf32, #tpu.memory_space<vmem>>[vector<16xi32>, vector<16xi32>], vector<16xf32>,
      %mul3A_689 = arith.constant 64 : i32
      %mul3A_690 = arith.muli %add3A_651, %mul3A_689 : i32
      %add3A_691 = arith.constant 32 : i32
      %add3A_692 = arith.addi %mul3A_690, %add3A_691 : i32
      %multiple_of3A_693 = tpu.assume_multiple %add3A_692, 16 : i32
      %swap3A_694 = arith.index_cast %multiple_of3A_693 : i32 to index
      %swap3A_695 = tpu.vector_load %arg14[%swap3A_694] {strides = array<i32>} : memref<32768xf32, #tpu.memory_space<vmem>>, vector<16xf32>,
      tpu.vector_store %arg14[%swap3A_694], %gather3A_688 {strides = array<i32>} : memref<32768xf32, #tpu.memory_space<vmem>>, vector<16xf32>,
      %add3A_696 = arith.constant 48 : i32
      %add3A_697 = vector.broadcast %add3A_696 : i32 to vector<16xi32>
      %add3A_698 = arith.addi %iota3A, %add3A_697 : vector<16xi32>
      %gather3A_699 = tpu.vector_load_idx %arg22[%add3A_698, %get3A_662] : memref<64x128xf32, #tpu.memory_space<vmem>>[vector<16xi32>, vector<16xi32>], vector<16xf32>,
      %mul3A_700 = arith.constant 64 : i32
      %mul3A_701 = arith.muli %add3A_651, %mul3A_700 : i32
      %add3A_702 = arith.constant 48 : i32
      %add3A_703 = arith.addi %mul3A_701, %add3A_702 : i32
      %multiple_of3A_704 = tpu.assume_multiple %add3A_703, 16 : i32
      %swap3A_705 = arith.index_cast %multiple_of3A_704 : i32 to index
      %swap3A_706 = tpu.vector_load %arg14[%swap3A_705] {strides = array<i32>} : memref<32768xf32, #tpu.memory_space<vmem>>, vector<16xf32>,
      tpu.vector_store %arg14[%swap3A_705], %gather3A_699 {strides = array<i32>} : memref<32768xf32, #tpu.memory_space<vmem>>, vector<16xf32>,
      %add3A_707 = arith.constant 8 : i32
      %add3A_708 = arith.addi %add3A_193, %add3A_707 : i32
      %add3A_709 = arith.constant 7 : i32
      %add3A_710 = arith.addi %add3A_708, %add3A_709 : i32
      %lt3A_711 = arith.constant 512 : i32
      %lt3A_712 = arith.cmpi slt, %add3A_710, %lt3A_711 : i32
      %convert_element_type3A_713 = arith.extui %lt3A_712 : i1 to i32
      %cond3A_714 = arith.constant 0 : i32
      %cond3A_715 = arith.cmpi ne, %convert_element_type3A_713, %cond3A_714 : i32
      scf.if %cond3A_715 {
        %add3A_716 = arith.constant 8 : i32
        %add3A_717 = arith.addi %add3A_193, %add3A_716 : i32
        %add3A_718 = arith.constant 7 : i32
        %add3A_719 = arith.addi %add3A_717, %add3A_718 : i32
        %mul3A_720 = arith.constant 16 : i32
        %mul3A_721 = arith.muli %add3A_719, %mul3A_720 : i32
        %multiple_of3A_722 = tpu.assume_multiple %mul3A_721, 16 : i32
        %get3A_723 = arith.index_cast %multiple_of3A_722 : i32 to index
        %get3A_724 = tpu.vector_load %arg10[%get3A_723] {strides = array<i32>} : memref<8192xi32, #tpu.memory_space<vmem>>, vector<16xi32>,
        %slice3A_725 = vector.extract_strided_slice %get3A_724 {offsets = [0], sizes = [1], strides = [1]} : vector<16xi32> to vector<1xi32>
        %squeeze3A_726 = vector.extract %slice3A_725[0] : i32 from vector<1xi32>
        %multiple_of3A_727 = tpu.assume_multiple %squeeze3A_726, 128 : i32
        %dma_start3A_728 = arith.constant 0 : i32
        %dma_start3A_729 = tpu.memref_slice %arg6[%dma_start3A_728, %multiple_of3A_727] : memref<64x1000000xf32, #tpu.memory_space<hbm>> -> memref<64x128xf32, #tpu.memory_space<hbm>>
        %dma_start3A_730 = arith.constant 0 : i32
        %dma_start3A_731 = tpu.memref_slice %arg6[%dma_start3A_730, %multiple_of3A_727] : memref<64x1000000xf32, #tpu.memory_space<hbm>> -> memref<64x128xf32, #tpu.memory_space<hbm>>
        tpu.enqueue_dma source(%dma_start3A_731 : memref<64x128xf32, #tpu.memory_space<hbm>>) target(%arg22 : memref<64x128xf32, #tpu.memory_space<vmem>>) target_semaphore(%arg30 : memref<!tpu.dma_semaphore, #tpu.memory_space<semaphore_mem>>)
      } else {
      }
    }
    %scan3A_87 = arith.constant 64 : i32
    %mul3A_88 = arith.constant 512 : i32
    %mul3A_89 = arith.muli %add3A, %mul3A_88 : i32
    %mul3A_90 = arith.constant 64 : i32
    %mul3A_91 = arith.muli %mul3A_89, %mul3A_90 : i32
    "tpu.region"() ({
      %run_scoped3A = tpu.sem_alloc : memref<!tpu.dma_semaphore, #tpu.memory_space<semaphore_mem>>
      %dma_start3A_189 = tpu.memref_slice %arg8[%mul3A_91] : memref<1048576xf32, #tpu.memory_space<hbm>> -> memref<32768xf32, #tpu.memory_space<hbm>>
      %dma_start3A_190 = tpu.memref_slice %arg8[%mul3A_91] : memref<1048576xf32, #tpu.memory_space<hbm>> -> memref<32768xf32, #tpu.memory_space<hbm>>
      tpu.enqueue_dma source(%arg14 : memref<32768xf32, #tpu.memory_space<vmem>>) target(%dma_start3A_190 : memref<32768xf32, #tpu.memory_space<hbm>>) target_semaphore(%run_scoped3A : memref<!tpu.dma_semaphore, #tpu.memory_space<semaphore_mem>>)
      %dma_wait3A = tpu.memref_slice %arg8[%mul3A_91] : memref<1048576xf32, #tpu.memory_space<hbm>> -> memref<32768xf32, #tpu.memory_space<hbm>>
      %dma_wait3A_191 = tpu.memref_slice %arg8[%mul3A_91] : memref<1048576xf32, #tpu.memory_space<hbm>> -> memref<32768xf32, #tpu.memory_space<hbm>>
      tpu.wait_dma2 semaphore(%run_scoped3A : memref<!tpu.dma_semaphore, #tpu.memory_space<semaphore_mem>>) src(%arg14 : memref<32768xf32, #tpu.memory_space<vmem>>) dst(%dma_wait3A_191 : memref<32768xf32, #tpu.memory_space<hbm>>)
      tpu.yield
    }) : () -> ()
    %multiple_of3A_92 = arith.constant 0 : i32
    %multiple_of3A_93 = tpu.assume_multiple %multiple_of3A_92, 16 : i32
    %get3A_94 = arith.index_cast %multiple_of3A_93 : i32 to index
    %get3A_95 = tpu.vector_load %arg12[%get3A_94] {strides = array<i32>} : memref<8192xi32, #tpu.memory_space<vmem>>, vector<16xi32>,
    %slice3A_96 = vector.extract_strided_slice %get3A_95 {offsets = [0], sizes = [1], strides = [1]} : vector<16xi32> to vector<1xi32>
    %squeeze3A_97 = vector.extract %slice3A_96[0] : i32 from vector<1xi32>
    %multiple_of3A_98 = tpu.assume_multiple %squeeze3A_97, 128 : i32
    %dma_start3A_99 = arith.constant 0 : i32
    %dma_start3A_100 = tpu.memref_slice %arg7[%dma_start3A_99, %multiple_of3A_98] : memref<64x1000000xf32, #tpu.memory_space<hbm>> -> memref<64x128xf32, #tpu.memory_space<hbm>>
    %dma_start3A_101 = arith.constant 0 : i32
    %dma_start3A_102 = tpu.memref_slice %arg7[%dma_start3A_101, %multiple_of3A_98] : memref<64x1000000xf32, #tpu.memory_space<hbm>> -> memref<64x128xf32, #tpu.memory_space<hbm>>
    tpu.enqueue_dma source(%dma_start3A_102 : memref<64x128xf32, #tpu.memory_space<hbm>>) target(%arg15 : memref<64x128xf32, #tpu.memory_space<vmem>>) target_semaphore(%arg23 : memref<!tpu.dma_semaphore, #tpu.memory_space<semaphore_mem>>)
    %multiple_of3A_103 = arith.constant 16 : i32
    %multiple_of3A_104 = tpu.assume_multiple %multiple_of3A_103, 16 : i32
    %get3A_105 = arith.index_cast %multiple_of3A_104 : i32 to index
    %get3A_106 = tpu.vector_load %arg12[%get3A_105] {strides = array<i32>} : memref<8192xi32, #tpu.memory_space<vmem>>, vector<16xi32>,
    %slice3A_107 = vector.extract_strided_slice %get3A_106 {offsets = [0], sizes = [1], strides = [1]} : vector<16xi32> to vector<1xi32>
    %squeeze3A_108 = vector.extract %slice3A_107[0] : i32 from vector<1xi32>
    %multiple_of3A_109 = tpu.assume_multiple %squeeze3A_108, 128 : i32
    %dma_start3A_110 = arith.constant 0 : i32
    %dma_start3A_111 = tpu.memref_slice %arg7[%dma_start3A_110, %multiple_of3A_109] : memref<64x1000000xf32, #tpu.memory_space<hbm>> -> memref<64x128xf32, #tpu.memory_space<hbm>>
    %dma_start3A_112 = arith.constant 0 : i32
    %dma_start3A_113 = tpu.memref_slice %arg7[%dma_start3A_112, %multiple_of3A_109] : memref<64x1000000xf32, #tpu.memory_space<hbm>> -> memref<64x128xf32, #tpu.memory_space<hbm>>
    tpu.enqueue_dma source(%dma_start3A_113 : memref<64x128xf32, #tpu.memory_space<hbm>>) target(%arg16 : memref<64x128xf32, #tpu.memory_space<vmem>>) target_semaphore(%arg24 : memref<!tpu.dma_semaphore, #tpu.memory_space<semaphore_mem>>)
    %multiple_of3A_114 = arith.constant 32 : i32
    %multiple_of3A_115 = tpu.assume_multiple %multiple_of3A_114, 16 : i32
    %get3A_116 = arith.index_cast %multiple_of3A_115 : i32 to index
    %get3A_117 = tpu.vector_load %arg12[%get3A_116] {strides = array<i32>} : memref<8192xi32, #tpu.memory_space<vmem>>, vector<16xi32>,
    %slice3A_118 = vector.extract_strided_slice %get3A_117 {offsets = [0], sizes = [1], strides = [1]} : vector<16xi32> to vector<1xi32>
    %squeeze3A_119 = vector.extract %slice3A_118[0] : i32 from vector<1xi32>
    %multiple_of3A_120 = tpu.assume_multiple %squeeze3A_119, 128 : i32
    %dma_start3A_121 = arith.constant 0 : i32
    %dma_start3A_122 = tpu.memref_slice %arg7[%dma_start3A_121, %multiple_of3A_120] : memref<64x1000000xf32, #tpu.memory_space<hbm>> -> memref<64x128xf32, #tpu.memory_space<hbm>>
    %dma_start3A_123 = arith.constant 0 : i32
    %dma_start3A_124 = tpu.memref_slice %arg7[%dma_start3A_123, %multiple_of3A_120] : memref<64x1000000xf32, #tpu.memory_space<hbm>> -> memref<64x128xf32, #tpu.memory_space<hbm>>
    tpu.enqueue_dma source(%dma_start3A_124 : memref<64x128xf32, #tpu.memory_space<hbm>>) target(%arg17 : memref<64x128xf32, #tpu.memory_space<vmem>>) target_semaphore(%arg25 : memref<!tpu.dma_semaphore, #tpu.memory_space<semaphore_mem>>)
    %multiple_of3A_125 = arith.constant 48 : i32
    %multiple_of3A_126 = tpu.assume_multiple %multiple_of3A_125, 16 : i32
    %get3A_127 = arith.index_cast %multiple_of3A_126 : i32 to index
    %get3A_128 = tpu.vector_load %arg12[%get3A_127] {strides = array<i32>} : memref<8192xi32, #tpu.memory_space<vmem>>, vector<16xi32>,
    %slice3A_129 = vector.extract_strided_slice %get3A_128 {offsets = [0], sizes = [1], strides = [1]} : vector<16xi32> to vector<1xi32>
    %squeeze3A_130 = vector.extract %slice3A_129[0] : i32 from vector<1xi32>
    %multiple_of3A_131 = tpu.assume_multiple %squeeze3A_130, 128 : i32
    %dma_start3A_132 = arith.constant 0 : i32
    %dma_start3A_133 = tpu.memref_slice %arg7[%dma_start3A_132, %multiple_of3A_131] : memref<64x1000000xf32, #tpu.memory_space<hbm>> -> memref<64x128xf32, #tpu.memory_space<hbm>>
    %dma_start3A_134 = arith.constant 0 : i32
    %dma_start3A_135 = tpu.memref_slice %arg7[%dma_start3A_134, %multiple_of3A_131] : memref<64x1000000xf32, #tpu.memory_space<hbm>> -> memref<64x128xf32, #tpu.memory_space<hbm>>
    tpu.enqueue_dma source(%dma_start3A_135 : memref<64x128xf32, #tpu.memory_space<hbm>>) target(%arg18 : memref<64x128xf32, #tpu.memory_space<vmem>>) target_semaphore(%arg26 : memref<!tpu.dma_semaphore, #tpu.memory_space<semaphore_mem>>)
    %multiple_of3A_136 = arith.constant 64 : i32
    %multiple_of3A_137 = tpu.assume_multiple %multiple_of3A_136, 16 : i32
    %get3A_138 = arith.index_cast %multiple_of3A_137 : i32 to index
    %get3A_139 = tpu.vector_load %arg12[%get3A_138] {strides = array<i32>} : memref<8192xi32, #tpu.memory_space<vmem>>, vector<16xi32>,
    %slice3A_140 = vector.extract_strided_slice %get3A_139 {offsets = [0], sizes = [1], strides = [1]} : vector<16xi32> to vector<1xi32>
    %squeeze3A_141 = vector.extract %slice3A_140[0] : i32 from vector<1xi32>
    %multiple_of3A_142 = tpu.assume_multiple %squeeze3A_141, 128 : i32
    %dma_start3A_143 = arith.constant 0 : i32
    %dma_start3A_144 = tpu.memref_slice %arg7[%dma_start3A_143, %multiple_of3A_142] : memref<64x1000000xf32, #tpu.memory_space<hbm>> -> memref<64x128xf32, #tpu.memory_space<hbm>>
    %dma_start3A_145 = arith.constant 0 : i32
    %dma_start3A_146 = tpu.memref_slice %arg7[%dma_start3A_145, %multiple_of3A_142] : memref<64x1000000xf32, #tpu.memory_space<hbm>> -> memref<64x128xf32, #tpu.memory_space<hbm>>
    tpu.enqueue_dma source(%dma_start3A_146 : memref<64x128xf32, #tpu.memory_space<hbm>>) target(%arg19 : memref<64x128xf32, #tpu.memory_space<vmem>>) target_semaphore(%arg27 : memref<!tpu.dma_semaphore, #tpu.memory_space<semaphore_mem>>)
    %multiple_of3A_147 = arith.constant 80 : i32
    %multiple_of3A_148 = tpu.assume_multiple %multiple_of3A_147, 16 : i32
    %get3A_149 = arith.index_cast %multiple_of3A_148 : i32 to index
    %get3A_150 = tpu.vector_load %arg12[%get3A_149] {strides = array<i32>} : memref<8192xi32, #tpu.memory_space<vmem>>, vector<16xi32>,
    %slice3A_151 = vector.extract_strided_slice %get3A_150 {offsets = [0], sizes = [1], strides = [1]} : vector<16xi32> to vector<1xi32>
    %squeeze3A_152 = vector.extract %slice3A_151[0] : i32 from vector<1xi32>
    %multiple_of3A_153 = tpu.assume_multiple %squeeze3A_152, 128 : i32
    %dma_start3A_154 = arith.constant 0 : i32
    %dma_start3A_155 = tpu.memref_slice %arg7[%dma_start3A_154, %multiple_of3A_153] : memref<64x1000000xf32, #tpu.memory_space<hbm>> -> memref<64x128xf32, #tpu.memory_space<hbm>>
    %dma_start3A_156 = arith.constant 0 : i32
    %dma_start3A_157 = tpu.memref_slice %arg7[%dma_start3A_156, %multiple_of3A_153] : memref<64x1000000xf32, #tpu.memory_space<hbm>> -> memref<64x128xf32, #tpu.memory_space<hbm>>
    tpu.enqueue_dma source(%dma_start3A_157 : memref<64x128xf32, #tpu.memory_space<hbm>>) target(%arg20 : memref<64x128xf32, #tpu.memory_space<vmem>>) target_semaphore(%arg28 : memref<!tpu.dma_semaphore, #tpu.memory_space<semaphore_mem>>)
    %multiple_of3A_158 = arith.constant 96 : i32
    %multiple_of3A_159 = tpu.assume_multiple %multiple_of3A_158, 16 : i32
    %get3A_160 = arith.index_cast %multiple_of3A_159 : i32 to index
    %get3A_161 = tpu.vector_load %arg12[%get3A_160] {strides = array<i32>} : memref<8192xi32, #tpu.memory_space<vmem>>, vector<16xi32>,
    %slice3A_162 = vector.extract_strided_slice %get3A_161 {offsets = [0], sizes = [1], strides = [1]} : vector<16xi32> to vector<1xi32>
    %squeeze3A_163 = vector.extract %slice3A_162[0] : i32 from vector<1xi32>
    %multiple_of3A_164 = tpu.assume_multiple %squeeze3A_163, 128 : i32
    %dma_start3A_165 = arith.constant 0 : i32
    %dma_start3A_166 = tpu.memref_slice %arg7[%dma_start3A_165, %multiple_of3A_164] : memref<64x1000000xf32, #tpu.memory_space<hbm>> -> memref<64x128xf32, #tpu.memory_space<hbm>>
    %dma_start3A_167 = arith.constant 0 : i32
    %dma_start3A_168 = tpu.memref_slice %arg7[%dma_start3A_167, %multiple_of3A_164] : memref<64x1000000xf32, #tpu.memory_space<hbm>> -> memref<64x128xf32, #tpu.memory_space<hbm>>
    tpu.enqueue_dma source(%dma_start3A_168 : memref<64x128xf32, #tpu.memory_space<hbm>>) target(%arg21 : memref<64x128xf32, #tpu.memory_space<vmem>>) target_semaphore(%arg29 : memref<!tpu.dma_semaphore, #tpu.memory_space<semaphore_mem>>)
    %multiple_of3A_169 = arith.constant 112 : i32
    %multiple_of3A_170 = tpu.assume_multiple %multiple_of3A_169, 16 : i32
    %get3A_171 = arith.index_cast %multiple_of3A_170 : i32 to index
    %get3A_172 = tpu.vector_load %arg12[%get3A_171] {strides = array<i32>} : memref<8192xi32, #tpu.memory_space<vmem>>, vector<16xi32>,
    %slice3A_173 = vector.extract_strided_slice %get3A_172 {offsets = [0], sizes = [1], strides = [1]} : vector<16xi32> to vector<1xi32>
    %squeeze3A_174 = vector.extract %slice3A_173[0] : i32 from vector<1xi32>
    %multiple_of3A_175 = tpu.assume_multiple %squeeze3A_174, 128 : i32
    %dma_start3A_176 = arith.constant 0 : i32
    %dma_start3A_177 = tpu.memref_slice %arg7[%dma_start3A_176, %multiple_of3A_175] : memref<64x1000000xf32, #tpu.memory_space<hbm>> -> memref<64x128xf32, #tpu.memory_space<hbm>>
    %dma_start3A_178 = arith.constant 0 : i32
    %dma_start3A_179 = tpu.memref_slice %arg7[%dma_start3A_178, %multiple_of3A_175] : memref<64x1000000xf32, #tpu.memory_space<hbm>> -> memref<64x128xf32, #tpu.memory_space<hbm>>
    tpu.enqueue_dma source(%dma_start3A_179 : memref<64x128xf32, #tpu.memory_space<hbm>>) target(%arg22 : memref<64x128xf32, #tpu.memory_space<vmem>>) target_semaphore(%arg30 : memref<!tpu.dma_semaphore, #tpu.memory_space<semaphore_mem>>)
    %scan3A_180 = arith.constant 0 : i32
    %scan3A_181 = arith.constant 64 : i32
    %scan3A_182 = arith.addi %scan3A_180, %scan3A_181 : i32
    %scan3A_183 = arith.constant 1 : i32
    scf.for %scan3A_189 = %scan3A_180 to %scan3A_182 step %scan3A_183  : i32 {
      %mul3A_190 = arith.constant 8 : i32
      %mul3A_191 = arith.muli %scan3A_189, %mul3A_190 : i32
      %add3A_192 = arith.constant 0 : i32
      %add3A_193 = arith.addi %add3A_192, %mul3A_191 : i32
      %add3A_194 = arith.constant 0 : i32
      %add3A_195 = arith.addi %add3A_193, %add3A_194 : i32
      %dma_wait3A = arith.constant 0 : i32
      %dma_wait3A_196 = arith.constant 0 : i32
      %dma_wait3A_197 = tpu.memref_slice %arg7[%dma_wait3A, %dma_wait3A_196] : memref<64x1000000xf32, #tpu.memory_space<hbm>> -> memref<64x128xf32, #tpu.memory_space<hbm>>
      %dma_wait3A_198 = arith.constant 0 : i32
      %dma_wait3A_199 = arith.constant 0 : i32
      %dma_wait3A_200 = tpu.memref_slice %arg7[%dma_wait3A_198, %dma_wait3A_199] : memref<64x1000000xf32, #tpu.memory_space<hbm>> -> memref<64x128xf32, #tpu.memory_space<hbm>>
      tpu.wait_dma2 semaphore(%arg23 : memref<!tpu.dma_semaphore, #tpu.memory_space<semaphore_mem>>) src(%dma_wait3A_200 : memref<64x128xf32, #tpu.memory_space<hbm>>) dst(%arg15 : memref<64x128xf32, #tpu.memory_space<vmem>>)
      %mul3A_201 = arith.constant 16 : i32
      %mul3A_202 = arith.muli %add3A_195, %mul3A_201 : i32
      %multiple_of3A_203 = tpu.assume_multiple %mul3A_202, 16 : i32
      %get3A_204 = arith.index_cast %multiple_of3A_203 : i32 to index
      %get3A_205 = tpu.vector_load %arg13[%get3A_204] {strides = array<i32>} : memref<8192xi32, #tpu.memory_space<vmem>>, vector<16xi32>,
      %add3A_206 = arith.constant 0 : i32
      %add3A_207 = vector.broadcast %add3A_206 : i32 to vector<16xi32>
      %add3A_208 = arith.addi %iota3A, %add3A_207 : vector<16xi32>
      %gather3A = tpu.vector_load_idx %arg15[%add3A_208, %get3A_205] : memref<64x128xf32, #tpu.memory_space<vmem>>[vector<16xi32>, vector<16xi32>], vector<16xf32>,
      %mul3A_209 = arith.constant 64 : i32
      %mul3A_210 = arith.muli %add3A_195, %mul3A_209 : i32
      %add3A_211 = arith.constant 0 : i32
      %add3A_212 = arith.addi %mul3A_210, %add3A_211 : i32
      %multiple_of3A_213 = tpu.assume_multiple %add3A_212, 16 : i32
      %swap3A = arith.index_cast %multiple_of3A_213 : i32 to index
      %swap3A_214 = tpu.vector_load %arg14[%swap3A] {strides = array<i32>} : memref<32768xf32, #tpu.memory_space<vmem>>, vector<16xf32>,
      tpu.vector_store %arg14[%swap3A], %gather3A {strides = array<i32>} : memref<32768xf32, #tpu.memory_space<vmem>>, vector<16xf32>,
      %add3A_215 = arith.constant 16 : i32
      %add3A_216 = vector.broadcast %add3A_215 : i32 to vector<16xi32>
      %add3A_217 = arith.addi %iota3A, %add3A_216 : vector<16xi32>
      %gather3A_218 = tpu.vector_load_idx %arg15[%add3A_217, %get3A_205] : memref<64x128xf32, #tpu.memory_space<vmem>>[vector<16xi32>, vector<16xi32>], vector<16xf32>,
      %mul3A_219 = arith.constant 64 : i32
      %mul3A_220 = arith.muli %add3A_195, %mul3A_219 : i32
      %add3A_221 = arith.constant 16 : i32
      %add3A_222 = arith.addi %mul3A_220, %add3A_221 : i32
      %multiple_of3A_223 = tpu.assume_multiple %add3A_222, 16 : i32
      %swap3A_224 = arith.index_cast %multiple_of3A_223 : i32 to index
      %swap3A_225 = tpu.vector_load %arg14[%swap3A_224] {strides = array<i32>} : memref<32768xf32, #tpu.memory_space<vmem>>, vector<16xf32>,
      tpu.vector_store %arg14[%swap3A_224], %gather3A_218 {strides = array<i32>} : memref<32768xf32, #tpu.memory_space<vmem>>, vector<16xf32>,
      %add3A_226 = arith.constant 32 : i32
      %add3A_227 = vector.broadcast %add3A_226 : i32 to vector<16xi32>
      %add3A_228 = arith.addi %iota3A, %add3A_227 : vector<16xi32>
      %gather3A_229 = tpu.vector_load_idx %arg15[%add3A_228, %get3A_205] : memref<64x128xf32, #tpu.memory_space<vmem>>[vector<16xi32>, vector<16xi32>], vector<16xf32>,
      %mul3A_230 = arith.constant 64 : i32
      %mul3A_231 = arith.muli %add3A_195, %mul3A_230 : i32
      %add3A_232 = arith.constant 32 : i32
      %add3A_233 = arith.addi %mul3A_231, %add3A_232 : i32
      %multiple_of3A_234 = tpu.assume_multiple %add3A_233, 16 : i32
      %swap3A_235 = arith.index_cast %multiple_of3A_234 : i32 to index
      %swap3A_236 = tpu.vector_load %arg14[%swap3A_235] {strides = array<i32>} : memref<32768xf32, #tpu.memory_space<vmem>>, vector<16xf32>,
      tpu.vector_store %arg14[%swap3A_235], %gather3A_229 {strides = array<i32>} : memref<32768xf32, #tpu.memory_space<vmem>>, vector<16xf32>,
      %add3A_237 = arith.constant 48 : i32
      %add3A_238 = vector.broadcast %add3A_237 : i32 to vector<16xi32>
      %add3A_239 = arith.addi %iota3A, %add3A_238 : vector<16xi32>
      %gather3A_240 = tpu.vector_load_idx %arg15[%add3A_239, %get3A_205] : memref<64x128xf32, #tpu.memory_space<vmem>>[vector<16xi32>, vector<16xi32>], vector<16xf32>,
      %mul3A_241 = arith.constant 64 : i32
      %mul3A_242 = arith.muli %add3A_195, %mul3A_241 : i32
      %add3A_243 = arith.constant 48 : i32
      %add3A_244 = arith.addi %mul3A_242, %add3A_243 : i32
      %multiple_of3A_245 = tpu.assume_multiple %add3A_244, 16 : i32
      %swap3A_246 = arith.index_cast %multiple_of3A_245 : i32 to index
      %swap3A_247 = tpu.vector_load %arg14[%swap3A_246] {strides = array<i32>} : memref<32768xf32, #tpu.memory_space<vmem>>, vector<16xf32>,
      tpu.vector_store %arg14[%swap3A_246], %gather3A_240 {strides = array<i32>} : memref<32768xf32, #tpu.memory_space<vmem>>, vector<16xf32>,
      %add3A_248 = arith.constant 8 : i32
      %add3A_249 = arith.addi %add3A_193, %add3A_248 : i32
      %add3A_250 = arith.constant 0 : i32
      %add3A_251 = arith.addi %add3A_249, %add3A_250 : i32
      %lt3A = arith.constant 512 : i32
      %lt3A_252 = arith.cmpi slt, %add3A_251, %lt3A : i32
      %convert_element_type3A = arith.extui %lt3A_252 : i1 to i32
      %cond3A = arith.constant 0 : i32
      %cond3A_253 = arith.cmpi ne, %convert_element_type3A, %cond3A : i32
      scf.if %cond3A_253 {
        %add3A_716 = arith.constant 8 : i32
        %add3A_717 = arith.addi %add3A_193, %add3A_716 : i32
        %add3A_718 = arith.constant 0 : i32
        %add3A_719 = arith.addi %add3A_717, %add3A_718 : i32
        %mul3A_720 = arith.constant 16 : i32
        %mul3A_721 = arith.muli %add3A_719, %mul3A_720 : i32
        %multiple_of3A_722 = tpu.assume_multiple %mul3A_721, 16 : i32
        %get3A_723 = arith.index_cast %multiple_of3A_722 : i32 to index
        %get3A_724 = tpu.vector_load %arg12[%get3A_723] {strides = array<i32>} : memref<8192xi32, #tpu.memory_space<vmem>>, vector<16xi32>,
        %slice3A_725 = vector.extract_strided_slice %get3A_724 {offsets = [0], sizes = [1], strides = [1]} : vector<16xi32> to vector<1xi32>
        %squeeze3A_726 = vector.extract %slice3A_725[0] : i32 from vector<1xi32>
        %multiple_of3A_727 = tpu.assume_multiple %squeeze3A_726, 128 : i32
        %dma_start3A_728 = arith.constant 0 : i32
        %dma_start3A_729 = tpu.memref_slice %arg7[%dma_start3A_728, %multiple_of3A_727] : memref<64x1000000xf32, #tpu.memory_space<hbm>> -> memref<64x128xf32, #tpu.memory_space<hbm>>
        %dma_start3A_730 = arith.constant 0 : i32
        %dma_start3A_731 = tpu.memref_slice %arg7[%dma_start3A_730, %multiple_of3A_727] : memref<64x1000000xf32, #tpu.memory_space<hbm>> -> memref<64x128xf32, #tpu.memory_space<hbm>>
        tpu.enqueue_dma source(%dma_start3A_731 : memref<64x128xf32, #tpu.memory_space<hbm>>) target(%arg15 : memref<64x128xf32, #tpu.memory_space<vmem>>) target_semaphore(%arg23 : memref<!tpu.dma_semaphore, #tpu.memory_space<semaphore_mem>>)
      } else {
      }
      %add3A_254 = arith.constant 1 : i32
      %add3A_255 = arith.addi %add3A_193, %add3A_254 : i32
      %dma_wait3A_256 = arith.constant 0 : i32
      %dma_wait3A_257 = arith.constant 0 : i32
      %dma_wait3A_258 = tpu.memref_slice %arg7[%dma_wait3A_256, %dma_wait3A_257] : memref<64x1000000xf32, #tpu.memory_space<hbm>> -> memref<64x128xf32, #tpu.memory_space<hbm>>
      %dma_wait3A_259 = arith.constant 0 : i32
      %dma_wait3A_260 = arith.constant 0 : i32
      %dma_wait3A_261 = tpu.memref_slice %arg7[%dma_wait3A_259, %dma_wait3A_260] : memref<64x1000000xf32, #tpu.memory_space<hbm>> -> memref<64x128xf32, #tpu.memory_space<hbm>>
      tpu.wait_dma2 semaphore(%arg24 : memref<!tpu.dma_semaphore, #tpu.memory_space<semaphore_mem>>) src(%dma_wait3A_261 : memref<64x128xf32, #tpu.memory_space<hbm>>) dst(%arg16 : memref<64x128xf32, #tpu.memory_space<vmem>>)
      %mul3A_262 = arith.constant 16 : i32
      %mul3A_263 = arith.muli %add3A_255, %mul3A_262 : i32
      %multiple_of3A_264 = tpu.assume_multiple %mul3A_263, 16 : i32
      %get3A_265 = arith.index_cast %multiple_of3A_264 : i32 to index
      %get3A_266 = tpu.vector_load %arg13[%get3A_265] {strides = array<i32>} : memref<8192xi32, #tpu.memory_space<vmem>>, vector<16xi32>,
      %add3A_267 = arith.constant 0 : i32
      %add3A_268 = vector.broadcast %add3A_267 : i32 to vector<16xi32>
      %add3A_269 = arith.addi %iota3A, %add3A_268 : vector<16xi32>
      %gather3A_270 = tpu.vector_load_idx %arg16[%add3A_269, %get3A_266] : memref<64x128xf32, #tpu.memory_space<vmem>>[vector<16xi32>, vector<16xi32>], vector<16xf32>,
      %mul3A_271 = arith.constant 64 : i32
      %mul3A_272 = arith.muli %add3A_255, %mul3A_271 : i32
      %add3A_273 = arith.constant 0 : i32
      %add3A_274 = arith.addi %mul3A_272, %add3A_273 : i32
      %multiple_of3A_275 = tpu.assume_multiple %add3A_274, 16 : i32
      %swap3A_276 = arith.index_cast %multiple_of3A_275 : i32 to index
      %swap3A_277 = tpu.vector_load %arg14[%swap3A_276] {strides = array<i32>} : memref<32768xf32, #tpu.memory_space<vmem>>, vector<16xf32>,
      tpu.vector_store %arg14[%swap3A_276], %gather3A_270 {strides = array<i32>} : memref<32768xf32, #tpu.memory_space<vmem>>, vector<16xf32>,
      %add3A_278 = arith.constant 16 : i32
      %add3A_279 = vector.broadcast %add3A_278 : i32 to vector<16xi32>
      %add3A_280 = arith.addi %iota3A, %add3A_279 : vector<16xi32>
      %gather3A_281 = tpu.vector_load_idx %arg16[%add3A_280, %get3A_266] : memref<64x128xf32, #tpu.memory_space<vmem>>[vector<16xi32>, vector<16xi32>], vector<16xf32>,
      %mul3A_282 = arith.constant 64 : i32
      %mul3A_283 = arith.muli %add3A_255, %mul3A_282 : i32
      %add3A_284 = arith.constant 16 : i32
      %add3A_285 = arith.addi %mul3A_283, %add3A_284 : i32
      %multiple_of3A_286 = tpu.assume_multiple %add3A_285, 16 : i32
      %swap3A_287 = arith.index_cast %multiple_of3A_286 : i32 to index
      %swap3A_288 = tpu.vector_load %arg14[%swap3A_287] {strides = array<i32>} : memref<32768xf32, #tpu.memory_space<vmem>>, vector<16xf32>,
      tpu.vector_store %arg14[%swap3A_287], %gather3A_281 {strides = array<i32>} : memref<32768xf32, #tpu.memory_space<vmem>>, vector<16xf32>,
      %add3A_289 = arith.constant 32 : i32
      %add3A_290 = vector.broadcast %add3A_289 : i32 to vector<16xi32>
      %add3A_291 = arith.addi %iota3A, %add3A_290 : vector<16xi32>
      %gather3A_292 = tpu.vector_load_idx %arg16[%add3A_291, %get3A_266] : memref<64x128xf32, #tpu.memory_space<vmem>>[vector<16xi32>, vector<16xi32>], vector<16xf32>,
      %mul3A_293 = arith.constant 64 : i32
      %mul3A_294 = arith.muli %add3A_255, %mul3A_293 : i32
      %add3A_295 = arith.constant 32 : i32
      %add3A_296 = arith.addi %mul3A_294, %add3A_295 : i32
      %multiple_of3A_297 = tpu.assume_multiple %add3A_296, 16 : i32
      %swap3A_298 = arith.index_cast %multiple_of3A_297 : i32 to index
      %swap3A_299 = tpu.vector_load %arg14[%swap3A_298] {strides = array<i32>} : memref<32768xf32, #tpu.memory_space<vmem>>, vector<16xf32>,
      tpu.vector_store %arg14[%swap3A_298], %gather3A_292 {strides = array<i32>} : memref<32768xf32, #tpu.memory_space<vmem>>, vector<16xf32>,
      %add3A_300 = arith.constant 48 : i32
      %add3A_301 = vector.broadcast %add3A_300 : i32 to vector<16xi32>
      %add3A_302 = arith.addi %iota3A, %add3A_301 : vector<16xi32>
      %gather3A_303 = tpu.vector_load_idx %arg16[%add3A_302, %get3A_266] : memref<64x128xf32, #tpu.memory_space<vmem>>[vector<16xi32>, vector<16xi32>], vector<16xf32>,
      %mul3A_304 = arith.constant 64 : i32
      %mul3A_305 = arith.muli %add3A_255, %mul3A_304 : i32
      %add3A_306 = arith.constant 48 : i32
      %add3A_307 = arith.addi %mul3A_305, %add3A_306 : i32
      %multiple_of3A_308 = tpu.assume_multiple %add3A_307, 16 : i32
      %swap3A_309 = arith.index_cast %multiple_of3A_308 : i32 to index
      %swap3A_310 = tpu.vector_load %arg14[%swap3A_309] {strides = array<i32>} : memref<32768xf32, #tpu.memory_space<vmem>>, vector<16xf32>,
      tpu.vector_store %arg14[%swap3A_309], %gather3A_303 {strides = array<i32>} : memref<32768xf32, #tpu.memory_space<vmem>>, vector<16xf32>,
      %add3A_311 = arith.constant 8 : i32
      %add3A_312 = arith.addi %add3A_193, %add3A_311 : i32
      %add3A_313 = arith.constant 1 : i32
      %add3A_314 = arith.addi %add3A_312, %add3A_313 : i32
      %lt3A_315 = arith.constant 512 : i32
      %lt3A_316 = arith.cmpi slt, %add3A_314, %lt3A_315 : i32
      %convert_element_type3A_317 = arith.extui %lt3A_316 : i1 to i32
      %cond3A_318 = arith.constant 0 : i32
      %cond3A_319 = arith.cmpi ne, %convert_element_type3A_317, %cond3A_318 : i32
      scf.if %cond3A_319 {
        %add3A_716 = arith.constant 8 : i32
        %add3A_717 = arith.addi %add3A_193, %add3A_716 : i32
        %add3A_718 = arith.constant 1 : i32
        %add3A_719 = arith.addi %add3A_717, %add3A_718 : i32
        %mul3A_720 = arith.constant 16 : i32
        %mul3A_721 = arith.muli %add3A_719, %mul3A_720 : i32
        %multiple_of3A_722 = tpu.assume_multiple %mul3A_721, 16 : i32
        %get3A_723 = arith.index_cast %multiple_of3A_722 : i32 to index
        %get3A_724 = tpu.vector_load %arg12[%get3A_723] {strides = array<i32>} : memref<8192xi32, #tpu.memory_space<vmem>>, vector<16xi32>,
        %slice3A_725 = vector.extract_strided_slice %get3A_724 {offsets = [0], sizes = [1], strides = [1]} : vector<16xi32> to vector<1xi32>
        %squeeze3A_726 = vector.extract %slice3A_725[0] : i32 from vector<1xi32>
        %multiple_of3A_727 = tpu.assume_multiple %squeeze3A_726, 128 : i32
        %dma_start3A_728 = arith.constant 0 : i32
        %dma_start3A_729 = tpu.memref_slice %arg7[%dma_start3A_728, %multiple_of3A_727] : memref<64x1000000xf32, #tpu.memory_space<hbm>> -> memref<64x128xf32, #tpu.memory_space<hbm>>
        %dma_start3A_730 = arith.constant 0 : i32
        %dma_start3A_731 = tpu.memref_slice %arg7[%dma_start3A_730, %multiple_of3A_727] : memref<64x1000000xf32, #tpu.memory_space<hbm>> -> memref<64x128xf32, #tpu.memory_space<hbm>>
        tpu.enqueue_dma source(%dma_start3A_731 : memref<64x128xf32, #tpu.memory_space<hbm>>) target(%arg16 : memref<64x128xf32, #tpu.memory_space<vmem>>) target_semaphore(%arg24 : memref<!tpu.dma_semaphore, #tpu.memory_space<semaphore_mem>>)
      } else {
      }
      %add3A_320 = arith.constant 2 : i32
      %add3A_321 = arith.addi %add3A_193, %add3A_320 : i32
      %dma_wait3A_322 = arith.constant 0 : i32
      %dma_wait3A_323 = arith.constant 0 : i32
      %dma_wait3A_324 = tpu.memref_slice %arg7[%dma_wait3A_322, %dma_wait3A_323] : memref<64x1000000xf32, #tpu.memory_space<hbm>> -> memref<64x128xf32, #tpu.memory_space<hbm>>
      %dma_wait3A_325 = arith.constant 0 : i32
      %dma_wait3A_326 = arith.constant 0 : i32
      %dma_wait3A_327 = tpu.memref_slice %arg7[%dma_wait3A_325, %dma_wait3A_326] : memref<64x1000000xf32, #tpu.memory_space<hbm>> -> memref<64x128xf32, #tpu.memory_space<hbm>>
      tpu.wait_dma2 semaphore(%arg25 : memref<!tpu.dma_semaphore, #tpu.memory_space<semaphore_mem>>) src(%dma_wait3A_327 : memref<64x128xf32, #tpu.memory_space<hbm>>) dst(%arg17 : memref<64x128xf32, #tpu.memory_space<vmem>>)
      %mul3A_328 = arith.constant 16 : i32
      %mul3A_329 = arith.muli %add3A_321, %mul3A_328 : i32
      %multiple_of3A_330 = tpu.assume_multiple %mul3A_329, 16 : i32
      %get3A_331 = arith.index_cast %multiple_of3A_330 : i32 to index
      %get3A_332 = tpu.vector_load %arg13[%get3A_331] {strides = array<i32>} : memref<8192xi32, #tpu.memory_space<vmem>>, vector<16xi32>,
      %add3A_333 = arith.constant 0 : i32
      %add3A_334 = vector.broadcast %add3A_333 : i32 to vector<16xi32>
      %add3A_335 = arith.addi %iota3A, %add3A_334 : vector<16xi32>
      %gather3A_336 = tpu.vector_load_idx %arg17[%add3A_335, %get3A_332] : memref<64x128xf32, #tpu.memory_space<vmem>>[vector<16xi32>, vector<16xi32>], vector<16xf32>,
      %mul3A_337 = arith.constant 64 : i32
      %mul3A_338 = arith.muli %add3A_321, %mul3A_337 : i32
      %add3A_339 = arith.constant 0 : i32
      %add3A_340 = arith.addi %mul3A_338, %add3A_339 : i32
      %multiple_of3A_341 = tpu.assume_multiple %add3A_340, 16 : i32
      %swap3A_342 = arith.index_cast %multiple_of3A_341 : i32 to index
      %swap3A_343 = tpu.vector_load %arg14[%swap3A_342] {strides = array<i32>} : memref<32768xf32, #tpu.memory_space<vmem>>, vector<16xf32>,
      tpu.vector_store %arg14[%swap3A_342], %gather3A_336 {strides = array<i32>} : memref<32768xf32, #tpu.memory_space<vmem>>, vector<16xf32>,
      %add3A_344 = arith.constant 16 : i32
      %add3A_345 = vector.broadcast %add3A_344 : i32 to vector<16xi32>
      %add3A_346 = arith.addi %iota3A, %add3A_345 : vector<16xi32>
      %gather3A_347 = tpu.vector_load_idx %arg17[%add3A_346, %get3A_332] : memref<64x128xf32, #tpu.memory_space<vmem>>[vector<16xi32>, vector<16xi32>], vector<16xf32>,
      %mul3A_348 = arith.constant 64 : i32
      %mul3A_349 = arith.muli %add3A_321, %mul3A_348 : i32
      %add3A_350 = arith.constant 16 : i32
      %add3A_351 = arith.addi %mul3A_349, %add3A_350 : i32
      %multiple_of3A_352 = tpu.assume_multiple %add3A_351, 16 : i32
      %swap3A_353 = arith.index_cast %multiple_of3A_352 : i32 to index
      %swap3A_354 = tpu.vector_load %arg14[%swap3A_353] {strides = array<i32>} : memref<32768xf32, #tpu.memory_space<vmem>>, vector<16xf32>,
      tpu.vector_store %arg14[%swap3A_353], %gather3A_347 {strides = array<i32>} : memref<32768xf32, #tpu.memory_space<vmem>>, vector<16xf32>,
      %add3A_355 = arith.constant 32 : i32
      %add3A_356 = vector.broadcast %add3A_355 : i32 to vector<16xi32>
      %add3A_357 = arith.addi %iota3A, %add3A_356 : vector<16xi32>
      %gather3A_358 = tpu.vector_load_idx %arg17[%add3A_357, %get3A_332] : memref<64x128xf32, #tpu.memory_space<vmem>>[vector<16xi32>, vector<16xi32>], vector<16xf32>,
      %mul3A_359 = arith.constant 64 : i32
      %mul3A_360 = arith.muli %add3A_321, %mul3A_359 : i32
      %add3A_361 = arith.constant 32 : i32
      %add3A_362 = arith.addi %mul3A_360, %add3A_361 : i32
      %multiple_of3A_363 = tpu.assume_multiple %add3A_362, 16 : i32
      %swap3A_364 = arith.index_cast %multiple_of3A_363 : i32 to index
      %swap3A_365 = tpu.vector_load %arg14[%swap3A_364] {strides = array<i32>} : memref<32768xf32, #tpu.memory_space<vmem>>, vector<16xf32>,
      tpu.vector_store %arg14[%swap3A_364], %gather3A_358 {strides = array<i32>} : memref<32768xf32, #tpu.memory_space<vmem>>, vector<16xf32>,
      %add3A_366 = arith.constant 48 : i32
      %add3A_367 = vector.broadcast %add3A_366 : i32 to vector<16xi32>
      %add3A_368 = arith.addi %iota3A, %add3A_367 : vector<16xi32>
      %gather3A_369 = tpu.vector_load_idx %arg17[%add3A_368, %get3A_332] : memref<64x128xf32, #tpu.memory_space<vmem>>[vector<16xi32>, vector<16xi32>], vector<16xf32>,
      %mul3A_370 = arith.constant 64 : i32
      %mul3A_371 = arith.muli %add3A_321, %mul3A_370 : i32
      %add3A_372 = arith.constant 48 : i32
      %add3A_373 = arith.addi %mul3A_371, %add3A_372 : i32
      %multiple_of3A_374 = tpu.assume_multiple %add3A_373, 16 : i32
      %swap3A_375 = arith.index_cast %multiple_of3A_374 : i32 to index
      %swap3A_376 = tpu.vector_load %arg14[%swap3A_375] {strides = array<i32>} : memref<32768xf32, #tpu.memory_space<vmem>>, vector<16xf32>,
      tpu.vector_store %arg14[%swap3A_375], %gather3A_369 {strides = array<i32>} : memref<32768xf32, #tpu.memory_space<vmem>>, vector<16xf32>,
      %add3A_377 = arith.constant 8 : i32
      %add3A_378 = arith.addi %add3A_193, %add3A_377 : i32
      %add3A_379 = arith.constant 2 : i32
      %add3A_380 = arith.addi %add3A_378, %add3A_379 : i32
      %lt3A_381 = arith.constant 512 : i32
      %lt3A_382 = arith.cmpi slt, %add3A_380, %lt3A_381 : i32
      %convert_element_type3A_383 = arith.extui %lt3A_382 : i1 to i32
      %cond3A_384 = arith.constant 0 : i32
      %cond3A_385 = arith.cmpi ne, %convert_element_type3A_383, %cond3A_384 : i32
      scf.if %cond3A_385 {
        %add3A_716 = arith.constant 8 : i32
        %add3A_717 = arith.addi %add3A_193, %add3A_716 : i32
        %add3A_718 = arith.constant 2 : i32
        %add3A_719 = arith.addi %add3A_717, %add3A_718 : i32
        %mul3A_720 = arith.constant 16 : i32
        %mul3A_721 = arith.muli %add3A_719, %mul3A_720 : i32
        %multiple_of3A_722 = tpu.assume_multiple %mul3A_721, 16 : i32
        %get3A_723 = arith.index_cast %multiple_of3A_722 : i32 to index
        %get3A_724 = tpu.vector_load %arg12[%get3A_723] {strides = array<i32>} : memref<8192xi32, #tpu.memory_space<vmem>>, vector<16xi32>,
        %slice3A_725 = vector.extract_strided_slice %get3A_724 {offsets = [0], sizes = [1], strides = [1]} : vector<16xi32> to vector<1xi32>
        %squeeze3A_726 = vector.extract %slice3A_725[0] : i32 from vector<1xi32>
        %multiple_of3A_727 = tpu.assume_multiple %squeeze3A_726, 128 : i32
        %dma_start3A_728 = arith.constant 0 : i32
        %dma_start3A_729 = tpu.memref_slice %arg7[%dma_start3A_728, %multiple_of3A_727] : memref<64x1000000xf32, #tpu.memory_space<hbm>> -> memref<64x128xf32, #tpu.memory_space<hbm>>
        %dma_start3A_730 = arith.constant 0 : i32
        %dma_start3A_731 = tpu.memref_slice %arg7[%dma_start3A_730, %multiple_of3A_727] : memref<64x1000000xf32, #tpu.memory_space<hbm>> -> memref<64x128xf32, #tpu.memory_space<hbm>>
        tpu.enqueue_dma source(%dma_start3A_731 : memref<64x128xf32, #tpu.memory_space<hbm>>) target(%arg17 : memref<64x128xf32, #tpu.memory_space<vmem>>) target_semaphore(%arg25 : memref<!tpu.dma_semaphore, #tpu.memory_space<semaphore_mem>>)
      } else {
      }
      %add3A_386 = arith.constant 3 : i32
      %add3A_387 = arith.addi %add3A_193, %add3A_386 : i32
      %dma_wait3A_388 = arith.constant 0 : i32
      %dma_wait3A_389 = arith.constant 0 : i32
      %dma_wait3A_390 = tpu.memref_slice %arg7[%dma_wait3A_388, %dma_wait3A_389] : memref<64x1000000xf32, #tpu.memory_space<hbm>> -> memref<64x128xf32, #tpu.memory_space<hbm>>
      %dma_wait3A_391 = arith.constant 0 : i32
      %dma_wait3A_392 = arith.constant 0 : i32
      %dma_wait3A_393 = tpu.memref_slice %arg7[%dma_wait3A_391, %dma_wait3A_392] : memref<64x1000000xf32, #tpu.memory_space<hbm>> -> memref<64x128xf32, #tpu.memory_space<hbm>>
      tpu.wait_dma2 semaphore(%arg26 : memref<!tpu.dma_semaphore, #tpu.memory_space<semaphore_mem>>) src(%dma_wait3A_393 : memref<64x128xf32, #tpu.memory_space<hbm>>) dst(%arg18 : memref<64x128xf32, #tpu.memory_space<vmem>>)
      %mul3A_394 = arith.constant 16 : i32
      %mul3A_395 = arith.muli %add3A_387, %mul3A_394 : i32
      %multiple_of3A_396 = tpu.assume_multiple %mul3A_395, 16 : i32
      %get3A_397 = arith.index_cast %multiple_of3A_396 : i32 to index
      %get3A_398 = tpu.vector_load %arg13[%get3A_397] {strides = array<i32>} : memref<8192xi32, #tpu.memory_space<vmem>>, vector<16xi32>,
      %add3A_399 = arith.constant 0 : i32
      %add3A_400 = vector.broadcast %add3A_399 : i32 to vector<16xi32>
      %add3A_401 = arith.addi %iota3A, %add3A_400 : vector<16xi32>
      %gather3A_402 = tpu.vector_load_idx %arg18[%add3A_401, %get3A_398] : memref<64x128xf32, #tpu.memory_space<vmem>>[vector<16xi32>, vector<16xi32>], vector<16xf32>,
      %mul3A_403 = arith.constant 64 : i32
      %mul3A_404 = arith.muli %add3A_387, %mul3A_403 : i32
      %add3A_405 = arith.constant 0 : i32
      %add3A_406 = arith.addi %mul3A_404, %add3A_405 : i32
      %multiple_of3A_407 = tpu.assume_multiple %add3A_406, 16 : i32
      %swap3A_408 = arith.index_cast %multiple_of3A_407 : i32 to index
      %swap3A_409 = tpu.vector_load %arg14[%swap3A_408] {strides = array<i32>} : memref<32768xf32, #tpu.memory_space<vmem>>, vector<16xf32>,
      tpu.vector_store %arg14[%swap3A_408], %gather3A_402 {strides = array<i32>} : memref<32768xf32, #tpu.memory_space<vmem>>, vector<16xf32>,
      %add3A_410 = arith.constant 16 : i32
      %add3A_411 = vector.broadcast %add3A_410 : i32 to vector<16xi32>
      %add3A_412 = arith.addi %iota3A, %add3A_411 : vector<16xi32>
      %gather3A_413 = tpu.vector_load_idx %arg18[%add3A_412, %get3A_398] : memref<64x128xf32, #tpu.memory_space<vmem>>[vector<16xi32>, vector<16xi32>], vector<16xf32>,
      %mul3A_414 = arith.constant 64 : i32
      %mul3A_415 = arith.muli %add3A_387, %mul3A_414 : i32
      %add3A_416 = arith.constant 16 : i32
      %add3A_417 = arith.addi %mul3A_415, %add3A_416 : i32
      %multiple_of3A_418 = tpu.assume_multiple %add3A_417, 16 : i32
      %swap3A_419 = arith.index_cast %multiple_of3A_418 : i32 to index
      %swap3A_420 = tpu.vector_load %arg14[%swap3A_419] {strides = array<i32>} : memref<32768xf32, #tpu.memory_space<vmem>>, vector<16xf32>,
      tpu.vector_store %arg14[%swap3A_419], %gather3A_413 {strides = array<i32>} : memref<32768xf32, #tpu.memory_space<vmem>>, vector<16xf32>,
      %add3A_421 = arith.constant 32 : i32
      %add3A_422 = vector.broadcast %add3A_421 : i32 to vector<16xi32>
      %add3A_423 = arith.addi %iota3A, %add3A_422 : vector<16xi32>
      %gather3A_424 = tpu.vector_load_idx %arg18[%add3A_423, %get3A_398] : memref<64x128xf32, #tpu.memory_space<vmem>>[vector<16xi32>, vector<16xi32>], vector<16xf32>,
      %mul3A_425 = arith.constant 64 : i32
      %mul3A_426 = arith.muli %add3A_387, %mul3A_425 : i32
      %add3A_427 = arith.constant 32 : i32
      %add3A_428 = arith.addi %mul3A_426, %add3A_427 : i32
      %multiple_of3A_429 = tpu.assume_multiple %add3A_428, 16 : i32
      %swap3A_430 = arith.index_cast %multiple_of3A_429 : i32 to index
      %swap3A_431 = tpu.vector_load %arg14[%swap3A_430] {strides = array<i32>} : memref<32768xf32, #tpu.memory_space<vmem>>, vector<16xf32>,
      tpu.vector_store %arg14[%swap3A_430], %gather3A_424 {strides = array<i32>} : memref<32768xf32, #tpu.memory_space<vmem>>, vector<16xf32>,
      %add3A_432 = arith.constant 48 : i32
      %add3A_433 = vector.broadcast %add3A_432 : i32 to vector<16xi32>
      %add3A_434 = arith.addi %iota3A, %add3A_433 : vector<16xi32>
      %gather3A_435 = tpu.vector_load_idx %arg18[%add3A_434, %get3A_398] : memref<64x128xf32, #tpu.memory_space<vmem>>[vector<16xi32>, vector<16xi32>], vector<16xf32>,
      %mul3A_436 = arith.constant 64 : i32
      %mul3A_437 = arith.muli %add3A_387, %mul3A_436 : i32
      %add3A_438 = arith.constant 48 : i32
      %add3A_439 = arith.addi %mul3A_437, %add3A_438 : i32
      %multiple_of3A_440 = tpu.assume_multiple %add3A_439, 16 : i32
      %swap3A_441 = arith.index_cast %multiple_of3A_440 : i32 to index
      %swap3A_442 = tpu.vector_load %arg14[%swap3A_441] {strides = array<i32>} : memref<32768xf32, #tpu.memory_space<vmem>>, vector<16xf32>,
      tpu.vector_store %arg14[%swap3A_441], %gather3A_435 {strides = array<i32>} : memref<32768xf32, #tpu.memory_space<vmem>>, vector<16xf32>,
      %add3A_443 = arith.constant 8 : i32
      %add3A_444 = arith.addi %add3A_193, %add3A_443 : i32
      %add3A_445 = arith.constant 3 : i32
      %add3A_446 = arith.addi %add3A_444, %add3A_445 : i32
      %lt3A_447 = arith.constant 512 : i32
      %lt3A_448 = arith.cmpi slt, %add3A_446, %lt3A_447 : i32
      %convert_element_type3A_449 = arith.extui %lt3A_448 : i1 to i32
      %cond3A_450 = arith.constant 0 : i32
      %cond3A_451 = arith.cmpi ne, %convert_element_type3A_449, %cond3A_450 : i32
      scf.if %cond3A_451 {
        %add3A_716 = arith.constant 8 : i32
        %add3A_717 = arith.addi %add3A_193, %add3A_716 : i32
        %add3A_718 = arith.constant 3 : i32
        %add3A_719 = arith.addi %add3A_717, %add3A_718 : i32
        %mul3A_720 = arith.constant 16 : i32
        %mul3A_721 = arith.muli %add3A_719, %mul3A_720 : i32
        %multiple_of3A_722 = tpu.assume_multiple %mul3A_721, 16 : i32
        %get3A_723 = arith.index_cast %multiple_of3A_722 : i32 to index
        %get3A_724 = tpu.vector_load %arg12[%get3A_723] {strides = array<i32>} : memref<8192xi32, #tpu.memory_space<vmem>>, vector<16xi32>,
        %slice3A_725 = vector.extract_strided_slice %get3A_724 {offsets = [0], sizes = [1], strides = [1]} : vector<16xi32> to vector<1xi32>
        %squeeze3A_726 = vector.extract %slice3A_725[0] : i32 from vector<1xi32>
        %multiple_of3A_727 = tpu.assume_multiple %squeeze3A_726, 128 : i32
        %dma_start3A_728 = arith.constant 0 : i32
        %dma_start3A_729 = tpu.memref_slice %arg7[%dma_start3A_728, %multiple_of3A_727] : memref<64x1000000xf32, #tpu.memory_space<hbm>> -> memref<64x128xf32, #tpu.memory_space<hbm>>
        %dma_start3A_730 = arith.constant 0 : i32
        %dma_start3A_731 = tpu.memref_slice %arg7[%dma_start3A_730, %multiple_of3A_727] : memref<64x1000000xf32, #tpu.memory_space<hbm>> -> memref<64x128xf32, #tpu.memory_space<hbm>>
        tpu.enqueue_dma source(%dma_start3A_731 : memref<64x128xf32, #tpu.memory_space<hbm>>) target(%arg18 : memref<64x128xf32, #tpu.memory_space<vmem>>) target_semaphore(%arg26 : memref<!tpu.dma_semaphore, #tpu.memory_space<semaphore_mem>>)
      } else {
      }
      %add3A_452 = arith.constant 4 : i32
      %add3A_453 = arith.addi %add3A_193, %add3A_452 : i32
      %dma_wait3A_454 = arith.constant 0 : i32
      %dma_wait3A_455 = arith.constant 0 : i32
      %dma_wait3A_456 = tpu.memref_slice %arg7[%dma_wait3A_454, %dma_wait3A_455] : memref<64x1000000xf32, #tpu.memory_space<hbm>> -> memref<64x128xf32, #tpu.memory_space<hbm>>
      %dma_wait3A_457 = arith.constant 0 : i32
      %dma_wait3A_458 = arith.constant 0 : i32
      %dma_wait3A_459 = tpu.memref_slice %arg7[%dma_wait3A_457, %dma_wait3A_458] : memref<64x1000000xf32, #tpu.memory_space<hbm>> -> memref<64x128xf32, #tpu.memory_space<hbm>>
      tpu.wait_dma2 semaphore(%arg27 : memref<!tpu.dma_semaphore, #tpu.memory_space<semaphore_mem>>) src(%dma_wait3A_459 : memref<64x128xf32, #tpu.memory_space<hbm>>) dst(%arg19 : memref<64x128xf32, #tpu.memory_space<vmem>>)
      %mul3A_460 = arith.constant 16 : i32
      %mul3A_461 = arith.muli %add3A_453, %mul3A_460 : i32
      %multiple_of3A_462 = tpu.assume_multiple %mul3A_461, 16 : i32
      %get3A_463 = arith.index_cast %multiple_of3A_462 : i32 to index
      %get3A_464 = tpu.vector_load %arg13[%get3A_463] {strides = array<i32>} : memref<8192xi32, #tpu.memory_space<vmem>>, vector<16xi32>,
      %add3A_465 = arith.constant 0 : i32
      %add3A_466 = vector.broadcast %add3A_465 : i32 to vector<16xi32>
      %add3A_467 = arith.addi %iota3A, %add3A_466 : vector<16xi32>
      %gather3A_468 = tpu.vector_load_idx %arg19[%add3A_467, %get3A_464] : memref<64x128xf32, #tpu.memory_space<vmem>>[vector<16xi32>, vector<16xi32>], vector<16xf32>,
      %mul3A_469 = arith.constant 64 : i32
      %mul3A_470 = arith.muli %add3A_453, %mul3A_469 : i32
      %add3A_471 = arith.constant 0 : i32
      %add3A_472 = arith.addi %mul3A_470, %add3A_471 : i32
      %multiple_of3A_473 = tpu.assume_multiple %add3A_472, 16 : i32
      %swap3A_474 = arith.index_cast %multiple_of3A_473 : i32 to index
      %swap3A_475 = tpu.vector_load %arg14[%swap3A_474] {strides = array<i32>} : memref<32768xf32, #tpu.memory_space<vmem>>, vector<16xf32>,
      tpu.vector_store %arg14[%swap3A_474], %gather3A_468 {strides = array<i32>} : memref<32768xf32, #tpu.memory_space<vmem>>, vector<16xf32>,
      %add3A_476 = arith.constant 16 : i32
      %add3A_477 = vector.broadcast %add3A_476 : i32 to vector<16xi32>
      %add3A_478 = arith.addi %iota3A, %add3A_477 : vector<16xi32>
      %gather3A_479 = tpu.vector_load_idx %arg19[%add3A_478, %get3A_464] : memref<64x128xf32, #tpu.memory_space<vmem>>[vector<16xi32>, vector<16xi32>], vector<16xf32>,
      %mul3A_480 = arith.constant 64 : i32
      %mul3A_481 = arith.muli %add3A_453, %mul3A_480 : i32
      %add3A_482 = arith.constant 16 : i32
      %add3A_483 = arith.addi %mul3A_481, %add3A_482 : i32
      %multiple_of3A_484 = tpu.assume_multiple %add3A_483, 16 : i32
      %swap3A_485 = arith.index_cast %multiple_of3A_484 : i32 to index
      %swap3A_486 = tpu.vector_load %arg14[%swap3A_485] {strides = array<i32>} : memref<32768xf32, #tpu.memory_space<vmem>>, vector<16xf32>,
      tpu.vector_store %arg14[%swap3A_485], %gather3A_479 {strides = array<i32>} : memref<32768xf32, #tpu.memory_space<vmem>>, vector<16xf32>,
      %add3A_487 = arith.constant 32 : i32
      %add3A_488 = vector.broadcast %add3A_487 : i32 to vector<16xi32>
      %add3A_489 = arith.addi %iota3A, %add3A_488 : vector<16xi32>
      %gather3A_490 = tpu.vector_load_idx %arg19[%add3A_489, %get3A_464] : memref<64x128xf32, #tpu.memory_space<vmem>>[vector<16xi32>, vector<16xi32>], vector<16xf32>,
      %mul3A_491 = arith.constant 64 : i32
      %mul3A_492 = arith.muli %add3A_453, %mul3A_491 : i32
      %add3A_493 = arith.constant 32 : i32
      %add3A_494 = arith.addi %mul3A_492, %add3A_493 : i32
      %multiple_of3A_495 = tpu.assume_multiple %add3A_494, 16 : i32
      %swap3A_496 = arith.index_cast %multiple_of3A_495 : i32 to index
      %swap3A_497 = tpu.vector_load %arg14[%swap3A_496] {strides = array<i32>} : memref<32768xf32, #tpu.memory_space<vmem>>, vector<16xf32>,
      tpu.vector_store %arg14[%swap3A_496], %gather3A_490 {strides = array<i32>} : memref<32768xf32, #tpu.memory_space<vmem>>, vector<16xf32>,
      %add3A_498 = arith.constant 48 : i32
      %add3A_499 = vector.broadcast %add3A_498 : i32 to vector<16xi32>
      %add3A_500 = arith.addi %iota3A, %add3A_499 : vector<16xi32>
      %gather3A_501 = tpu.vector_load_idx %arg19[%add3A_500, %get3A_464] : memref<64x128xf32, #tpu.memory_space<vmem>>[vector<16xi32>, vector<16xi32>], vector<16xf32>,
      %mul3A_502 = arith.constant 64 : i32
      %mul3A_503 = arith.muli %add3A_453, %mul3A_502 : i32
      %add3A_504 = arith.constant 48 : i32
      %add3A_505 = arith.addi %mul3A_503, %add3A_504 : i32
      %multiple_of3A_506 = tpu.assume_multiple %add3A_505, 16 : i32
      %swap3A_507 = arith.index_cast %multiple_of3A_506 : i32 to index
      %swap3A_508 = tpu.vector_load %arg14[%swap3A_507] {strides = array<i32>} : memref<32768xf32, #tpu.memory_space<vmem>>, vector<16xf32>,
      tpu.vector_store %arg14[%swap3A_507], %gather3A_501 {strides = array<i32>} : memref<32768xf32, #tpu.memory_space<vmem>>, vector<16xf32>,
      %add3A_509 = arith.constant 8 : i32
      %add3A_510 = arith.addi %add3A_193, %add3A_509 : i32
      %add3A_511 = arith.constant 4 : i32
      %add3A_512 = arith.addi %add3A_510, %add3A_511 : i32
      %lt3A_513 = arith.constant 512 : i32
      %lt3A_514 = arith.cmpi slt, %add3A_512, %lt3A_513 : i32
      %convert_element_type3A_515 = arith.extui %lt3A_514 : i1 to i32
      %cond3A_516 = arith.constant 0 : i32
      %cond3A_517 = arith.cmpi ne, %convert_element_type3A_515, %cond3A_516 : i32
      scf.if %cond3A_517 {
        %add3A_716 = arith.constant 8 : i32
        %add3A_717 = arith.addi %add3A_193, %add3A_716 : i32
        %add3A_718 = arith.constant 4 : i32
        %add3A_719 = arith.addi %add3A_717, %add3A_718 : i32
        %mul3A_720 = arith.constant 16 : i32
        %mul3A_721 = arith.muli %add3A_719, %mul3A_720 : i32
        %multiple_of3A_722 = tpu.assume_multiple %mul3A_721, 16 : i32
        %get3A_723 = arith.index_cast %multiple_of3A_722 : i32 to index
        %get3A_724 = tpu.vector_load %arg12[%get3A_723] {strides = array<i32>} : memref<8192xi32, #tpu.memory_space<vmem>>, vector<16xi32>,
        %slice3A_725 = vector.extract_strided_slice %get3A_724 {offsets = [0], sizes = [1], strides = [1]} : vector<16xi32> to vector<1xi32>
        %squeeze3A_726 = vector.extract %slice3A_725[0] : i32 from vector<1xi32>
        %multiple_of3A_727 = tpu.assume_multiple %squeeze3A_726, 128 : i32
        %dma_start3A_728 = arith.constant 0 : i32
        %dma_start3A_729 = tpu.memref_slice %arg7[%dma_start3A_728, %multiple_of3A_727] : memref<64x1000000xf32, #tpu.memory_space<hbm>> -> memref<64x128xf32, #tpu.memory_space<hbm>>
        %dma_start3A_730 = arith.constant 0 : i32
        %dma_start3A_731 = tpu.memref_slice %arg7[%dma_start3A_730, %multiple_of3A_727] : memref<64x1000000xf32, #tpu.memory_space<hbm>> -> memref<64x128xf32, #tpu.memory_space<hbm>>
        tpu.enqueue_dma source(%dma_start3A_731 : memref<64x128xf32, #tpu.memory_space<hbm>>) target(%arg19 : memref<64x128xf32, #tpu.memory_space<vmem>>) target_semaphore(%arg27 : memref<!tpu.dma_semaphore, #tpu.memory_space<semaphore_mem>>)
      } else {
      }
      %add3A_518 = arith.constant 5 : i32
      %add3A_519 = arith.addi %add3A_193, %add3A_518 : i32
      %dma_wait3A_520 = arith.constant 0 : i32
      %dma_wait3A_521 = arith.constant 0 : i32
      %dma_wait3A_522 = tpu.memref_slice %arg7[%dma_wait3A_520, %dma_wait3A_521] : memref<64x1000000xf32, #tpu.memory_space<hbm>> -> memref<64x128xf32, #tpu.memory_space<hbm>>
      %dma_wait3A_523 = arith.constant 0 : i32
      %dma_wait3A_524 = arith.constant 0 : i32
      %dma_wait3A_525 = tpu.memref_slice %arg7[%dma_wait3A_523, %dma_wait3A_524] : memref<64x1000000xf32, #tpu.memory_space<hbm>> -> memref<64x128xf32, #tpu.memory_space<hbm>>
      tpu.wait_dma2 semaphore(%arg28 : memref<!tpu.dma_semaphore, #tpu.memory_space<semaphore_mem>>) src(%dma_wait3A_525 : memref<64x128xf32, #tpu.memory_space<hbm>>) dst(%arg20 : memref<64x128xf32, #tpu.memory_space<vmem>>)
      %mul3A_526 = arith.constant 16 : i32
      %mul3A_527 = arith.muli %add3A_519, %mul3A_526 : i32
      %multiple_of3A_528 = tpu.assume_multiple %mul3A_527, 16 : i32
      %get3A_529 = arith.index_cast %multiple_of3A_528 : i32 to index
      %get3A_530 = tpu.vector_load %arg13[%get3A_529] {strides = array<i32>} : memref<8192xi32, #tpu.memory_space<vmem>>, vector<16xi32>,
      %add3A_531 = arith.constant 0 : i32
      %add3A_532 = vector.broadcast %add3A_531 : i32 to vector<16xi32>
      %add3A_533 = arith.addi %iota3A, %add3A_532 : vector<16xi32>
      %gather3A_534 = tpu.vector_load_idx %arg20[%add3A_533, %get3A_530] : memref<64x128xf32, #tpu.memory_space<vmem>>[vector<16xi32>, vector<16xi32>], vector<16xf32>,
      %mul3A_535 = arith.constant 64 : i32
      %mul3A_536 = arith.muli %add3A_519, %mul3A_535 : i32
      %add3A_537 = arith.constant 0 : i32
      %add3A_538 = arith.addi %mul3A_536, %add3A_537 : i32
      %multiple_of3A_539 = tpu.assume_multiple %add3A_538, 16 : i32
      %swap3A_540 = arith.index_cast %multiple_of3A_539 : i32 to index
      %swap3A_541 = tpu.vector_load %arg14[%swap3A_540] {strides = array<i32>} : memref<32768xf32, #tpu.memory_space<vmem>>, vector<16xf32>,
      tpu.vector_store %arg14[%swap3A_540], %gather3A_534 {strides = array<i32>} : memref<32768xf32, #tpu.memory_space<vmem>>, vector<16xf32>,
      %add3A_542 = arith.constant 16 : i32
      %add3A_543 = vector.broadcast %add3A_542 : i32 to vector<16xi32>
      %add3A_544 = arith.addi %iota3A, %add3A_543 : vector<16xi32>
      %gather3A_545 = tpu.vector_load_idx %arg20[%add3A_544, %get3A_530] : memref<64x128xf32, #tpu.memory_space<vmem>>[vector<16xi32>, vector<16xi32>], vector<16xf32>,
      %mul3A_546 = arith.constant 64 : i32
      %mul3A_547 = arith.muli %add3A_519, %mul3A_546 : i32
      %add3A_548 = arith.constant 16 : i32
      %add3A_549 = arith.addi %mul3A_547, %add3A_548 : i32
      %multiple_of3A_550 = tpu.assume_multiple %add3A_549, 16 : i32
      %swap3A_551 = arith.index_cast %multiple_of3A_550 : i32 to index
      %swap3A_552 = tpu.vector_load %arg14[%swap3A_551] {strides = array<i32>} : memref<32768xf32, #tpu.memory_space<vmem>>, vector<16xf32>,
      tpu.vector_store %arg14[%swap3A_551], %gather3A_545 {strides = array<i32>} : memref<32768xf32, #tpu.memory_space<vmem>>, vector<16xf32>,
      %add3A_553 = arith.constant 32 : i32
      %add3A_554 = vector.broadcast %add3A_553 : i32 to vector<16xi32>
      %add3A_555 = arith.addi %iota3A, %add3A_554 : vector<16xi32>
      %gather3A_556 = tpu.vector_load_idx %arg20[%add3A_555, %get3A_530] : memref<64x128xf32, #tpu.memory_space<vmem>>[vector<16xi32>, vector<16xi32>], vector<16xf32>,
      %mul3A_557 = arith.constant 64 : i32
      %mul3A_558 = arith.muli %add3A_519, %mul3A_557 : i32
      %add3A_559 = arith.constant 32 : i32
      %add3A_560 = arith.addi %mul3A_558, %add3A_559 : i32
      %multiple_of3A_561 = tpu.assume_multiple %add3A_560, 16 : i32
      %swap3A_562 = arith.index_cast %multiple_of3A_561 : i32 to index
      %swap3A_563 = tpu.vector_load %arg14[%swap3A_562] {strides = array<i32>} : memref<32768xf32, #tpu.memory_space<vmem>>, vector<16xf32>,
      tpu.vector_store %arg14[%swap3A_562], %gather3A_556 {strides = array<i32>} : memref<32768xf32, #tpu.memory_space<vmem>>, vector<16xf32>,
      %add3A_564 = arith.constant 48 : i32
      %add3A_565 = vector.broadcast %add3A_564 : i32 to vector<16xi32>
      %add3A_566 = arith.addi %iota3A, %add3A_565 : vector<16xi32>
      %gather3A_567 = tpu.vector_load_idx %arg20[%add3A_566, %get3A_530] : memref<64x128xf32, #tpu.memory_space<vmem>>[vector<16xi32>, vector<16xi32>], vector<16xf32>,
      %mul3A_568 = arith.constant 64 : i32
      %mul3A_569 = arith.muli %add3A_519, %mul3A_568 : i32
      %add3A_570 = arith.constant 48 : i32
      %add3A_571 = arith.addi %mul3A_569, %add3A_570 : i32
      %multiple_of3A_572 = tpu.assume_multiple %add3A_571, 16 : i32
      %swap3A_573 = arith.index_cast %multiple_of3A_572 : i32 to index
      %swap3A_574 = tpu.vector_load %arg14[%swap3A_573] {strides = array<i32>} : memref<32768xf32, #tpu.memory_space<vmem>>, vector<16xf32>,
      tpu.vector_store %arg14[%swap3A_573], %gather3A_567 {strides = array<i32>} : memref<32768xf32, #tpu.memory_space<vmem>>, vector<16xf32>,
      %add3A_575 = arith.constant 8 : i32
      %add3A_576 = arith.addi %add3A_193, %add3A_575 : i32
      %add3A_577 = arith.constant 5 : i32
      %add3A_578 = arith.addi %add3A_576, %add3A_577 : i32
      %lt3A_579 = arith.constant 512 : i32
      %lt3A_580 = arith.cmpi slt, %add3A_578, %lt3A_579 : i32
      %convert_element_type3A_581 = arith.extui %lt3A_580 : i1 to i32
      %cond3A_582 = arith.constant 0 : i32
      %cond3A_583 = arith.cmpi ne, %convert_element_type3A_581, %cond3A_582 : i32
      scf.if %cond3A_583 {
        %add3A_716 = arith.constant 8 : i32
        %add3A_717 = arith.addi %add3A_193, %add3A_716 : i32
        %add3A_718 = arith.constant 5 : i32
        %add3A_719 = arith.addi %add3A_717, %add3A_718 : i32
        %mul3A_720 = arith.constant 16 : i32
        %mul3A_721 = arith.muli %add3A_719, %mul3A_720 : i32
        %multiple_of3A_722 = tpu.assume_multiple %mul3A_721, 16 : i32
        %get3A_723 = arith.index_cast %multiple_of3A_722 : i32 to index
        %get3A_724 = tpu.vector_load %arg12[%get3A_723] {strides = array<i32>} : memref<8192xi32, #tpu.memory_space<vmem>>, vector<16xi32>,
        %slice3A_725 = vector.extract_strided_slice %get3A_724 {offsets = [0], sizes = [1], strides = [1]} : vector<16xi32> to vector<1xi32>
        %squeeze3A_726 = vector.extract %slice3A_725[0] : i32 from vector<1xi32>
        %multiple_of3A_727 = tpu.assume_multiple %squeeze3A_726, 128 : i32
        %dma_start3A_728 = arith.constant 0 : i32
        %dma_start3A_729 = tpu.memref_slice %arg7[%dma_start3A_728, %multiple_of3A_727] : memref<64x1000000xf32, #tpu.memory_space<hbm>> -> memref<64x128xf32, #tpu.memory_space<hbm>>
        %dma_start3A_730 = arith.constant 0 : i32
        %dma_start3A_731 = tpu.memref_slice %arg7[%dma_start3A_730, %multiple_of3A_727] : memref<64x1000000xf32, #tpu.memory_space<hbm>> -> memref<64x128xf32, #tpu.memory_space<hbm>>
        tpu.enqueue_dma source(%dma_start3A_731 : memref<64x128xf32, #tpu.memory_space<hbm>>) target(%arg20 : memref<64x128xf32, #tpu.memory_space<vmem>>) target_semaphore(%arg28 : memref<!tpu.dma_semaphore, #tpu.memory_space<semaphore_mem>>)
      } else {
      }
      %add3A_584 = arith.constant 6 : i32
      %add3A_585 = arith.addi %add3A_193, %add3A_584 : i32
      %dma_wait3A_586 = arith.constant 0 : i32
      %dma_wait3A_587 = arith.constant 0 : i32
      %dma_wait3A_588 = tpu.memref_slice %arg7[%dma_wait3A_586, %dma_wait3A_587] : memref<64x1000000xf32, #tpu.memory_space<hbm>> -> memref<64x128xf32, #tpu.memory_space<hbm>>
      %dma_wait3A_589 = arith.constant 0 : i32
      %dma_wait3A_590 = arith.constant 0 : i32
      %dma_wait3A_591 = tpu.memref_slice %arg7[%dma_wait3A_589, %dma_wait3A_590] : memref<64x1000000xf32, #tpu.memory_space<hbm>> -> memref<64x128xf32, #tpu.memory_space<hbm>>
      tpu.wait_dma2 semaphore(%arg29 : memref<!tpu.dma_semaphore, #tpu.memory_space<semaphore_mem>>) src(%dma_wait3A_591 : memref<64x128xf32, #tpu.memory_space<hbm>>) dst(%arg21 : memref<64x128xf32, #tpu.memory_space<vmem>>)
      %mul3A_592 = arith.constant 16 : i32
      %mul3A_593 = arith.muli %add3A_585, %mul3A_592 : i32
      %multiple_of3A_594 = tpu.assume_multiple %mul3A_593, 16 : i32
      %get3A_595 = arith.index_cast %multiple_of3A_594 : i32 to index
      %get3A_596 = tpu.vector_load %arg13[%get3A_595] {strides = array<i32>} : memref<8192xi32, #tpu.memory_space<vmem>>, vector<16xi32>,
      %add3A_597 = arith.constant 0 : i32
      %add3A_598 = vector.broadcast %add3A_597 : i32 to vector<16xi32>
      %add3A_599 = arith.addi %iota3A, %add3A_598 : vector<16xi32>
      %gather3A_600 = tpu.vector_load_idx %arg21[%add3A_599, %get3A_596] : memref<64x128xf32, #tpu.memory_space<vmem>>[vector<16xi32>, vector<16xi32>], vector<16xf32>,
      %mul3A_601 = arith.constant 64 : i32
      %mul3A_602 = arith.muli %add3A_585, %mul3A_601 : i32
      %add3A_603 = arith.constant 0 : i32
      %add3A_604 = arith.addi %mul3A_602, %add3A_603 : i32
      %multiple_of3A_605 = tpu.assume_multiple %add3A_604, 16 : i32
      %swap3A_606 = arith.index_cast %multiple_of3A_605 : i32 to index
      %swap3A_607 = tpu.vector_load %arg14[%swap3A_606] {strides = array<i32>} : memref<32768xf32, #tpu.memory_space<vmem>>, vector<16xf32>,
      tpu.vector_store %arg14[%swap3A_606], %gather3A_600 {strides = array<i32>} : memref<32768xf32, #tpu.memory_space<vmem>>, vector<16xf32>,
      %add3A_608 = arith.constant 16 : i32
      %add3A_609 = vector.broadcast %add3A_608 : i32 to vector<16xi32>
      %add3A_610 = arith.addi %iota3A, %add3A_609 : vector<16xi32>
      %gather3A_611 = tpu.vector_load_idx %arg21[%add3A_610, %get3A_596] : memref<64x128xf32, #tpu.memory_space<vmem>>[vector<16xi32>, vector<16xi32>], vector<16xf32>,
      %mul3A_612 = arith.constant 64 : i32
      %mul3A_613 = arith.muli %add3A_585, %mul3A_612 : i32
      %add3A_614 = arith.constant 16 : i32
      %add3A_615 = arith.addi %mul3A_613, %add3A_614 : i32
      %multiple_of3A_616 = tpu.assume_multiple %add3A_615, 16 : i32
      %swap3A_617 = arith.index_cast %multiple_of3A_616 : i32 to index
      %swap3A_618 = tpu.vector_load %arg14[%swap3A_617] {strides = array<i32>} : memref<32768xf32, #tpu.memory_space<vmem>>, vector<16xf32>,
      tpu.vector_store %arg14[%swap3A_617], %gather3A_611 {strides = array<i32>} : memref<32768xf32, #tpu.memory_space<vmem>>, vector<16xf32>,
      %add3A_619 = arith.constant 32 : i32
      %add3A_620 = vector.broadcast %add3A_619 : i32 to vector<16xi32>
      %add3A_621 = arith.addi %iota3A, %add3A_620 : vector<16xi32>
      %gather3A_622 = tpu.vector_load_idx %arg21[%add3A_621, %get3A_596] : memref<64x128xf32, #tpu.memory_space<vmem>>[vector<16xi32>, vector<16xi32>], vector<16xf32>,
      %mul3A_623 = arith.constant 64 : i32
      %mul3A_624 = arith.muli %add3A_585, %mul3A_623 : i32
      %add3A_625 = arith.constant 32 : i32
      %add3A_626 = arith.addi %mul3A_624, %add3A_625 : i32
      %multiple_of3A_627 = tpu.assume_multiple %add3A_626, 16 : i32
      %swap3A_628 = arith.index_cast %multiple_of3A_627 : i32 to index
      %swap3A_629 = tpu.vector_load %arg14[%swap3A_628] {strides = array<i32>} : memref<32768xf32, #tpu.memory_space<vmem>>, vector<16xf32>,
      tpu.vector_store %arg14[%swap3A_628], %gather3A_622 {strides = array<i32>} : memref<32768xf32, #tpu.memory_space<vmem>>, vector<16xf32>,
      %add3A_630 = arith.constant 48 : i32
      %add3A_631 = vector.broadcast %add3A_630 : i32 to vector<16xi32>
      %add3A_632 = arith.addi %iota3A, %add3A_631 : vector<16xi32>
      %gather3A_633 = tpu.vector_load_idx %arg21[%add3A_632, %get3A_596] : memref<64x128xf32, #tpu.memory_space<vmem>>[vector<16xi32>, vector<16xi32>], vector<16xf32>,
      %mul3A_634 = arith.constant 64 : i32
      %mul3A_635 = arith.muli %add3A_585, %mul3A_634 : i32
      %add3A_636 = arith.constant 48 : i32
      %add3A_637 = arith.addi %mul3A_635, %add3A_636 : i32
      %multiple_of3A_638 = tpu.assume_multiple %add3A_637, 16 : i32
      %swap3A_639 = arith.index_cast %multiple_of3A_638 : i32 to index
      %swap3A_640 = tpu.vector_load %arg14[%swap3A_639] {strides = array<i32>} : memref<32768xf32, #tpu.memory_space<vmem>>, vector<16xf32>,
      tpu.vector_store %arg14[%swap3A_639], %gather3A_633 {strides = array<i32>} : memref<32768xf32, #tpu.memory_space<vmem>>, vector<16xf32>,
      %add3A_641 = arith.constant 8 : i32
      %add3A_642 = arith.addi %add3A_193, %add3A_641 : i32
      %add3A_643 = arith.constant 6 : i32
      %add3A_644 = arith.addi %add3A_642, %add3A_643 : i32
      %lt3A_645 = arith.constant 512 : i32
      %lt3A_646 = arith.cmpi slt, %add3A_644, %lt3A_645 : i32
      %convert_element_type3A_647 = arith.extui %lt3A_646 : i1 to i32
      %cond3A_648 = arith.constant 0 : i32
      %cond3A_649 = arith.cmpi ne, %convert_element_type3A_647, %cond3A_648 : i32
      scf.if %cond3A_649 {
        %add3A_716 = arith.constant 8 : i32
        %add3A_717 = arith.addi %add3A_193, %add3A_716 : i32
        %add3A_718 = arith.constant 6 : i32
        %add3A_719 = arith.addi %add3A_717, %add3A_718 : i32
        %mul3A_720 = arith.constant 16 : i32
        %mul3A_721 = arith.muli %add3A_719, %mul3A_720 : i32
        %multiple_of3A_722 = tpu.assume_multiple %mul3A_721, 16 : i32
        %get3A_723 = arith.index_cast %multiple_of3A_722 : i32 to index
        %get3A_724 = tpu.vector_load %arg12[%get3A_723] {strides = array<i32>} : memref<8192xi32, #tpu.memory_space<vmem>>, vector<16xi32>,
        %slice3A_725 = vector.extract_strided_slice %get3A_724 {offsets = [0], sizes = [1], strides = [1]} : vector<16xi32> to vector<1xi32>
        %squeeze3A_726 = vector.extract %slice3A_725[0] : i32 from vector<1xi32>
        %multiple_of3A_727 = tpu.assume_multiple %squeeze3A_726, 128 : i32
        %dma_start3A_728 = arith.constant 0 : i32
        %dma_start3A_729 = tpu.memref_slice %arg7[%dma_start3A_728, %multiple_of3A_727] : memref<64x1000000xf32, #tpu.memory_space<hbm>> -> memref<64x128xf32, #tpu.memory_space<hbm>>
        %dma_start3A_730 = arith.constant 0 : i32
        %dma_start3A_731 = tpu.memref_slice %arg7[%dma_start3A_730, %multiple_of3A_727] : memref<64x1000000xf32, #tpu.memory_space<hbm>> -> memref<64x128xf32, #tpu.memory_space<hbm>>
        tpu.enqueue_dma source(%dma_start3A_731 : memref<64x128xf32, #tpu.memory_space<hbm>>) target(%arg21 : memref<64x128xf32, #tpu.memory_space<vmem>>) target_semaphore(%arg29 : memref<!tpu.dma_semaphore, #tpu.memory_space<semaphore_mem>>)
      } else {
      }
      %add3A_650 = arith.constant 7 : i32
      %add3A_651 = arith.addi %add3A_193, %add3A_650 : i32
      %dma_wait3A_652 = arith.constant 0 : i32
      %dma_wait3A_653 = arith.constant 0 : i32
      %dma_wait3A_654 = tpu.memref_slice %arg7[%dma_wait3A_652, %dma_wait3A_653] : memref<64x1000000xf32, #tpu.memory_space<hbm>> -> memref<64x128xf32, #tpu.memory_space<hbm>>
      %dma_wait3A_655 = arith.constant 0 : i32
      %dma_wait3A_656 = arith.constant 0 : i32
      %dma_wait3A_657 = tpu.memref_slice %arg7[%dma_wait3A_655, %dma_wait3A_656] : memref<64x1000000xf32, #tpu.memory_space<hbm>> -> memref<64x128xf32, #tpu.memory_space<hbm>>
      tpu.wait_dma2 semaphore(%arg30 : memref<!tpu.dma_semaphore, #tpu.memory_space<semaphore_mem>>) src(%dma_wait3A_657 : memref<64x128xf32, #tpu.memory_space<hbm>>) dst(%arg22 : memref<64x128xf32, #tpu.memory_space<vmem>>)
      %mul3A_658 = arith.constant 16 : i32
      %mul3A_659 = arith.muli %add3A_651, %mul3A_658 : i32
      %multiple_of3A_660 = tpu.assume_multiple %mul3A_659, 16 : i32
      %get3A_661 = arith.index_cast %multiple_of3A_660 : i32 to index
      %get3A_662 = tpu.vector_load %arg13[%get3A_661] {strides = array<i32>} : memref<8192xi32, #tpu.memory_space<vmem>>, vector<16xi32>,
      %add3A_663 = arith.constant 0 : i32
      %add3A_664 = vector.broadcast %add3A_663 : i32 to vector<16xi32>
      %add3A_665 = arith.addi %iota3A, %add3A_664 : vector<16xi32>
      %gather3A_666 = tpu.vector_load_idx %arg22[%add3A_665, %get3A_662] : memref<64x128xf32, #tpu.memory_space<vmem>>[vector<16xi32>, vector<16xi32>], vector<16xf32>,
      %mul3A_667 = arith.constant 64 : i32
      %mul3A_668 = arith.muli %add3A_651, %mul3A_667 : i32
      %add3A_669 = arith.constant 0 : i32
      %add3A_670 = arith.addi %mul3A_668, %add3A_669 : i32
      %multiple_of3A_671 = tpu.assume_multiple %add3A_670, 16 : i32
      %swap3A_672 = arith.index_cast %multiple_of3A_671 : i32 to index
      %swap3A_673 = tpu.vector_load %arg14[%swap3A_672] {strides = array<i32>} : memref<32768xf32, #tpu.memory_space<vmem>>, vector<16xf32>,
      tpu.vector_store %arg14[%swap3A_672], %gather3A_666 {strides = array<i32>} : memref<32768xf32, #tpu.memory_space<vmem>>, vector<16xf32>,
      %add3A_674 = arith.constant 16 : i32
      %add3A_675 = vector.broadcast %add3A_674 : i32 to vector<16xi32>
      %add3A_676 = arith.addi %iota3A, %add3A_675 : vector<16xi32>
      %gather3A_677 = tpu.vector_load_idx %arg22[%add3A_676, %get3A_662] : memref<64x128xf32, #tpu.memory_space<vmem>>[vector<16xi32>, vector<16xi32>], vector<16xf32>,
      %mul3A_678 = arith.constant 64 : i32
      %mul3A_679 = arith.muli %add3A_651, %mul3A_678 : i32
      %add3A_680 = arith.constant 16 : i32
      %add3A_681 = arith.addi %mul3A_679, %add3A_680 : i32
      %multiple_of3A_682 = tpu.assume_multiple %add3A_681, 16 : i32
      %swap3A_683 = arith.index_cast %multiple_of3A_682 : i32 to index
      %swap3A_684 = tpu.vector_load %arg14[%swap3A_683] {strides = array<i32>} : memref<32768xf32, #tpu.memory_space<vmem>>, vector<16xf32>,
      tpu.vector_store %arg14[%swap3A_683], %gather3A_677 {strides = array<i32>} : memref<32768xf32, #tpu.memory_space<vmem>>, vector<16xf32>,
      %add3A_685 = arith.constant 32 : i32
      %add3A_686 = vector.broadcast %add3A_685 : i32 to vector<16xi32>
      %add3A_687 = arith.addi %iota3A, %add3A_686 : vector<16xi32>
      %gather3A_688 = tpu.vector_load_idx %arg22[%add3A_687, %get3A_662] : memref<64x128xf32, #tpu.memory_space<vmem>>[vector<16xi32>, vector<16xi32>], vector<16xf32>,
      %mul3A_689 = arith.constant 64 : i32
      %mul3A_690 = arith.muli %add3A_651, %mul3A_689 : i32
      %add3A_691 = arith.constant 32 : i32
      %add3A_692 = arith.addi %mul3A_690, %add3A_691 : i32
      %multiple_of3A_693 = tpu.assume_multiple %add3A_692, 16 : i32
      %swap3A_694 = arith.index_cast %multiple_of3A_693 : i32 to index
      %swap3A_695 = tpu.vector_load %arg14[%swap3A_694] {strides = array<i32>} : memref<32768xf32, #tpu.memory_space<vmem>>, vector<16xf32>,
      tpu.vector_store %arg14[%swap3A_694], %gather3A_688 {strides = array<i32>} : memref<32768xf32, #tpu.memory_space<vmem>>, vector<16xf32>,
      %add3A_696 = arith.constant 48 : i32
      %add3A_697 = vector.broadcast %add3A_696 : i32 to vector<16xi32>
      %add3A_698 = arith.addi %iota3A, %add3A_697 : vector<16xi32>
      %gather3A_699 = tpu.vector_load_idx %arg22[%add3A_698, %get3A_662] : memref<64x128xf32, #tpu.memory_space<vmem>>[vector<16xi32>, vector<16xi32>], vector<16xf32>,
      %mul3A_700 = arith.constant 64 : i32
      %mul3A_701 = arith.muli %add3A_651, %mul3A_700 : i32
      %add3A_702 = arith.constant 48 : i32
      %add3A_703 = arith.addi %mul3A_701, %add3A_702 : i32
      %multiple_of3A_704 = tpu.assume_multiple %add3A_703, 16 : i32
      %swap3A_705 = arith.index_cast %multiple_of3A_704 : i32 to index
      %swap3A_706 = tpu.vector_load %arg14[%swap3A_705] {strides = array<i32>} : memref<32768xf32, #tpu.memory_space<vmem>>, vector<16xf32>,
      tpu.vector_store %arg14[%swap3A_705], %gather3A_699 {strides = array<i32>} : memref<32768xf32, #tpu.memory_space<vmem>>, vector<16xf32>,
      %add3A_707 = arith.constant 8 : i32
      %add3A_708 = arith.addi %add3A_193, %add3A_707 : i32
      %add3A_709 = arith.constant 7 : i32
      %add3A_710 = arith.addi %add3A_708, %add3A_709 : i32
      %lt3A_711 = arith.constant 512 : i32
      %lt3A_712 = arith.cmpi slt, %add3A_710, %lt3A_711 : i32
      %convert_element_type3A_713 = arith.extui %lt3A_712 : i1 to i32
      %cond3A_714 = arith.constant 0 : i32
      %cond3A_715 = arith.cmpi ne, %convert_element_type3A_713, %cond3A_714 : i32
      scf.if %cond3A_715 {
        %add3A_716 = arith.constant 8 : i32
        %add3A_717 = arith.addi %add3A_193, %add3A_716 : i32
        %add3A_718 = arith.constant 7 : i32
        %add3A_719 = arith.addi %add3A_717, %add3A_718 : i32
        %mul3A_720 = arith.constant 16 : i32
        %mul3A_721 = arith.muli %add3A_719, %mul3A_720 : i32
        %multiple_of3A_722 = tpu.assume_multiple %mul3A_721, 16 : i32
        %get3A_723 = arith.index_cast %multiple_of3A_722 : i32 to index
        %get3A_724 = tpu.vector_load %arg12[%get3A_723] {strides = array<i32>} : memref<8192xi32, #tpu.memory_space<vmem>>, vector<16xi32>,
        %slice3A_725 = vector.extract_strided_slice %get3A_724 {offsets = [0], sizes = [1], strides = [1]} : vector<16xi32> to vector<1xi32>
        %squeeze3A_726 = vector.extract %slice3A_725[0] : i32 from vector<1xi32>
        %multiple_of3A_727 = tpu.assume_multiple %squeeze3A_726, 128 : i32
        %dma_start3A_728 = arith.constant 0 : i32
        %dma_start3A_729 = tpu.memref_slice %arg7[%dma_start3A_728, %multiple_of3A_727] : memref<64x1000000xf32, #tpu.memory_space<hbm>> -> memref<64x128xf32, #tpu.memory_space<hbm>>
        %dma_start3A_730 = arith.constant 0 : i32
        %dma_start3A_731 = tpu.memref_slice %arg7[%dma_start3A_730, %multiple_of3A_727] : memref<64x1000000xf32, #tpu.memory_space<hbm>> -> memref<64x128xf32, #tpu.memory_space<hbm>>
        tpu.enqueue_dma source(%dma_start3A_731 : memref<64x128xf32, #tpu.memory_space<hbm>>) target(%arg22 : memref<64x128xf32, #tpu.memory_space<vmem>>) target_semaphore(%arg30 : memref<!tpu.dma_semaphore, #tpu.memory_space<semaphore_mem>>)
      } else {
      }
    }
    %scan3A_184 = arith.constant 64 : i32
    %mul3A_185 = arith.constant 512 : i32
    %mul3A_186 = arith.muli %add3A, %mul3A_185 : i32
    %mul3A_187 = arith.constant 64 : i32
    %mul3A_188 = arith.muli %mul3A_186, %mul3A_187 : i32
    "tpu.region"() ({
      %run_scoped3A = tpu.sem_alloc : memref<!tpu.dma_semaphore, #tpu.memory_space<semaphore_mem>>
      %dma_start3A_189 = tpu.memref_slice %arg9[%mul3A_188] : memref<1048576xf32, #tpu.memory_space<hbm>> -> memref<32768xf32, #tpu.memory_space<hbm>>
      %dma_start3A_190 = tpu.memref_slice %arg9[%mul3A_188] : memref<1048576xf32, #tpu.memory_space<hbm>> -> memref<32768xf32, #tpu.memory_space<hbm>>
      tpu.enqueue_dma source(%arg14 : memref<32768xf32, #tpu.memory_space<vmem>>) target(%dma_start3A_190 : memref<32768xf32, #tpu.memory_space<hbm>>) target_semaphore(%run_scoped3A : memref<!tpu.dma_semaphore, #tpu.memory_space<semaphore_mem>>)
      %dma_wait3A = tpu.memref_slice %arg9[%mul3A_188] : memref<1048576xf32, #tpu.memory_space<hbm>> -> memref<32768xf32, #tpu.memory_space<hbm>>
      %dma_wait3A_191 = tpu.memref_slice %arg9[%mul3A_188] : memref<1048576xf32, #tpu.memory_space<hbm>> -> memref<32768xf32, #tpu.memory_space<hbm>>
      tpu.wait_dma2 semaphore(%run_scoped3A : memref<!tpu.dma_semaphore, #tpu.memory_space<semaphore_mem>>) src(%arg14 : memref<32768xf32, #tpu.memory_space<vmem>>) dst(%dma_wait3A_191 : memref<32768xf32, #tpu.memory_space<hbm>>)
      tpu.yield
    }) : () -> ()
    return
  }
}

module attributes {stable_mosaic.version = 14 : i64} {
  func.func @_head_body(%arg0: i32, %arg1: memref<2048x64xf32, #tpu.memory_space<vmem>>, %arg2: memref<2048x64xf32, #tpu.memory_space<vmem>>, %arg3: memref<1x64xf32, #tpu.memory_space<vmem>>, %arg4: memref<1xf32, #tpu.memory_space<smem>>, %arg5: memref<2048x1xf32, #tpu.memory_space<vmem>>) attributes {dimension_semantics = [#tpu.dimension_semantics<arbitrary>], iteration_bounds = array<i64: 8>, scalar_prefetch = 0 : i64, scratch_operands = 0 : i64, tpu.core_type = #tpu.core_type<tc>, window_params = [{transform_indices = @transform_0, window_bounds = array<i64: 2048, 64>}, {transform_indices = @transform_1, window_bounds = array<i64: 2048, 64>}, {pipeline_mode = #tpu.pipeline_mode<synchronous>, transform_indices = @transform_2, window_bounds = array<i64: 1, 64>}, {transform_indices = @transform_3, window_bounds = array<i64: 1>}, {transform_indices = @transform_4, window_bounds = array<i64: 2048, 1>}]} {
    %get3A = arith.constant 0 : index
    %get3A_0 = arith.constant 0 : index
    %get3A_1 = vector.load %arg1[%get3A, %get3A_0] : memref<2048x64xf32, #tpu.memory_space<vmem>>, vector<2048x64xf32>
    %get3A_2 = arith.constant 0 : index
    %get3A_3 = arith.constant 0 : index
    %get3A_4 = vector.load %arg2[%get3A_2, %get3A_3] : memref<2048x64xf32, #tpu.memory_space<vmem>>, vector<2048x64xf32>
    %mul3A = arith.mulf %get3A_1, %get3A_4 : vector<2048x64xf32>
    %get3A_5 = arith.constant 0 : index
    %get3A_6 = arith.constant 0 : index
    %get3A_7 = vector.load %arg3[%get3A_5, %get3A_6] : memref<1x64xf32, #tpu.memory_space<vmem>>, vector<1x64xf32>
    %mul3A_8 = vector.broadcast %get3A_7 : vector<1x64xf32> to vector<2048x64xf32>
    %mul3A_9 = arith.mulf %mul3A, %mul3A_8 : vector<2048x64xf32>
    %reduce_sum3A = arith.constant dense<0.000000e+00> : vector<2048xf32>
    %reduce_sum3A_10 = vector.multi_reduction <add>, %mul3A_9, %reduce_sum3A [1] : vector<2048x64xf32> to vector<2048xf32>
    %broadcast_in_dim3A = vector.shape_cast %reduce_sum3A_10 : vector<2048xf32> to vector<2048x1xf32>
    %get3A_11 = arith.constant 0 : index
    %get3A_12 = memref.load %arg4[%get3A_11] : memref<1xf32, #tpu.memory_space<smem>>
    %add3A = vector.broadcast %get3A_12 : f32 to vector<2048x1xf32>
    %add3A_13 = arith.addf %broadcast_in_dim3A, %add3A : vector<2048x1xf32>
    %neg3A = arith.constant 0.000000e+00 : f32
    %neg3A_14 = vector.broadcast %neg3A : f32 to vector<2048x1xf32>
    %neg3A_15 = arith.subf %neg3A_14, %add3A_13 : vector<2048x1xf32>
    %exp3A = math.exp %neg3A_15 : vector<2048x1xf32>
    %add3A_16 = arith.constant 1.000000e+00 : f32
    %add3A_17 = vector.broadcast %add3A_16 : f32 to vector<2048x1xf32>
    %add3A_18 = arith.addf %add3A_17, %exp3A : vector<2048x1xf32>
    %div3A = arith.constant 1.000000e+00 : f32
    %div3A_19 = vector.broadcast %div3A : f32 to vector<2048x1xf32>
    %div3A_20 = arith.divf %div3A_19, %add3A_18 : vector<2048x1xf32>
    %swap3A = arith.constant 0 : index
    %swap3A_21 = arith.constant 0 : index
    %swap3A_22 = vector.load %arg5[%swap3A, %swap3A_21] : memref<2048x1xf32, #tpu.memory_space<vmem>>, vector<2048x1xf32>
    tpu.vector_store %arg5[%swap3A, %swap3A_21], %div3A_20 {strides = array<i32>} : memref<2048x1xf32, #tpu.memory_space<vmem>>, vector<2048x1xf32>,
    return
  }
  func.func @transform_0(%arg0: i32) -> (i32, i32) {
    %c0_i32 = arith.constant 0 : i32
    %c0_i32_0 = arith.constant 0 : i32
    return %arg0, %c0_i32 : i32, i32
  }
  func.func @transform_1(%arg0: i32) -> (i32, i32) {
    %c0_i32 = arith.constant 0 : i32
    %c0_i32_0 = arith.constant 0 : i32
    return %arg0, %c0_i32 : i32, i32
  }
  func.func @transform_2(%arg0: i32) -> (i32, i32) {
    %c0_i32 = arith.constant 0 : i32
    %c0_i32_0 = arith.constant 0 : i32
    %c0_i32_1 = arith.constant 0 : i32
    return %c0_i32, %c0_i32_0 : i32, i32
  }
  func.func @transform_3(%arg0: i32) -> i32 {
    %c0_i32 = arith.constant 0 : i32
    %c0_i32_0 = arith.constant 0 : i32
    return %c0_i32 : i32
  }
  func.func @transform_4(%arg0: i32) -> (i32, i32) {
    %c0_i32 = arith.constant 0 : i32
    %c0_i32_0 = arith.constant 0 : i32
    return %arg0, %c0_i32 : i32, i32
  }
}

</mosaic_0001>

<sc_bundles>
// kernel: kernel.4.cloned.1.call-start
scs
__scs_entry_jumppad:
0x0: {  	(pc) =	sbr.rel $0x88, $3  }
0x1: {  	(tag) =	ssettag $0x0;
	lr =	simm.s32 $0x1  }
0x2: {  	[smem:$0x3F9B] =	sst lr;
	_ =	strace $0xD0000000  }
0x3: {  	_ = 	snop  }
0x4: {  	_ = 	snop  }
0x5: {  	_ = 	snop  }
0x6: {  	_ = 	snop  }
0x7: {  	_ = 	snop  }
__scs_overlays_trampoline_lowered:
0x8: {  	[smem:$0x3FAA] =	sst s0  }
0x9: {  	[smem:$0x3FAB] =	sst s1  }
0xa: {  	[smem:$0x3FAC] =	sst s2  }
0xb: {  	[smem:$0x3FAD] =	sst s3  }
0xc: {  	[smem:$0x3FAE] =	sst s4  }
0xd: {  	[smem:$0x3FAF] =	sst s5  }
0xe: {  	[smem:$0x3FB0] =	sst s6  }
0xf: {  	[smem:$0x3FB1] =	sst s7  }
0x10: {  	[smem:$0x3FB2] =	sst s8  }
0x11: {  	[smem:$0x3FB3] =	sst s9;
	s0 =	simm.s32 @!p0 $0x0  }
0x12: {  	s1 =	sld [smem:$0x3F99];
	s0 =	simm.s32 @p0 $0x1  }
0x13: {  	[smem:$0x3FB4] =	sst s0;
	s0 =	simm.s32 @!p1 $0x0  }
0x14: {  	s2 =	sld [smem:$0x3F98];
	s0 =	simm.s32 @p1 $0x1  }
0x15: {  	[smem:$0x3FB5] =	sst s0;
	s0 =	simm.s32 @!p2 $0x0  }
0x16: {  	s3 =	sld [smem:$0x3FDB];
	s0 =	simm.s32 @p2 $0x1  }
0x17: {  	s4 =	simm.s32 $0x1BF5;
	[smem:$0x3FB7] =	sst s0  }
0x18: {  	s0 =	sld [smem:$0x3F9A];
	_ =	swait.ge [sflag:s4], $0x0  }
0x19: {  	s7 =	sld [smem:$0x3F9B]  }
0x1a: {  	s8 =	sadd.s32 $0xFFFFE003, lr  }
0x1b: {  	s9 =	sadd.s32 $0xFFFFFEF7, lr;
	s5 =	simm.s32 $0xFFFFFFFF;
	p2 =	slt.u32 s8, $0xFFFFF086  }
0x1c: {  	p1 =	slt.u32 s9, $0xF7A;
	s5 =	simm.s32 @!p2 $0x0  }
0x1d: {  	s5 =	simm.s32 @p1 $0x1;
	p0 =	seq.s32 s7, s2  }
0x1e: {  	s7 =	smul.u32 @!p0 $0xF7A, s2;
	p2 =	seq.s32 @!p0 s5, $0x0  }
0x1f: {  	s9 =	smul.u32 $0xF7A, s1;
	s8 =	simm.s32 @!p0 $0x1BF5;
	p2 =	por !p2, p0  }
0x20: {  	[sflag:s8] =	ssyncset.s32 @!p0 $0xFFFFF086;
	s6 =	sadd.s32 @!p0 s3, s7;
	s7 =	simm.s32 @!p0 $0x108  }
0x21: {  	s3 =	sadd.s32 s3, s9;
	s6 =	sadd.s32 @!p0 $0x88, s6;
	s7 =	simm.s32 @p2 $0x1082  }
0x22: {  	[simem:s7], [sflag:s8] =	dma.local @!p0 [hbm:s6], $0xF7A  }
0x23: {  	s9 =	sor.u32 $0xD0000000, s2;
	s6 =	simm.s32 $0x108;
	_ =	swait.ge @!p0 [sflag:s8], $0x0  }
0x24: {  	s3 =	sadd.s32 $0x88, s3;
	s6 =	simm.s32 @!p1 $0x1082;
	[sflag:s4] =	ssyncset.s32 $0xFFFFF086  }
0x25: {  	[simem:s6], [sflag:s4] =	dma.local [hbm:s3], $0xF7A  }
0x26: {  	[smem:$0x3F9B] =	sst s1;
	(tag) =	ssettag s2;
	_ =	strace s9  }
0x27: {  	s1 =	sld [smem:$0x3FAB]  }
0x28: {  	s2 =	sld [smem:$0x3FAC]  }
0x29: {  	s4 =	sld [smem:$0x3FAE]  }
0x2a: {  	p0 =	seq.s32 s5, $0x0;
	s5 =	sld [smem:$0x3FAF]  }
0x2b: {  	s6 =	sld [smem:$0x3FB0]  }
0x2c: {  	s7 =	sld [smem:$0x3FB1]  }
0x2d: {  	s3 =	simm.s32 $0x108;
	s8 =	sld [smem:$0x3FB2]  }
0x2e: {  	s3 =	simm.s32 @!p0 $0x1082;
	s9 =	sld [smem:$0x3FB3]  }
0x2f: {  	lr =	sadd.s32 s0, s3;
	s0 =	sld [smem:$0x3FAA]  }
0x30: {  	s3 =	sld [smem:$0x3FAD]  }
0x31: {  	[smem:$0x3FB6] =	sst s10  }
0x32: {  	s10 =	sld [smem:$0x3FB4];
	_ =	sdelay $0x3  }
0x33: {  	p0 =	seq.s32 s10, $0x1;
	s10 =	sld [smem:$0x3FB6];
	_ =	sdelay $0x3  }
0x34: {  	[smem:$0x3FB6] =	sst s10  }
0x35: {  	s10 =	sld [smem:$0x3FB5];
	_ =	sdelay $0x3  }
0x36: {  	p1 =	seq.s32 s10, $0x1;
	s10 =	sld [smem:$0x3FB6];
	_ =	sdelay $0x3  }
0x37: {  	[smem:$0x3FB6] =	sst s10  }
0x38: {  	s10 =	sld [smem:$0x3FB7]  }
0x39: {  	_ = 	snop;
	(pc) =	sbr.ind lr, $3  }
0x3a: {  	_ = 	snop  }
0x3b: {  	_ = 	snop  }
0x3c: {  	p2 =	seq.s32 s10, $0x1;
	s10 =	sld [smem:$0x3FB6]  }
0x3d: {  	_ =	shalt  }
0x3e: {  	_ =	shalt  }
0x3f: {  	_ =	shalt  }
0x40: {  	_ =	shalt  }
0x41: {  	_ =	shalt  }
0x42: {  	_ =	shalt  }
0x43: {  	_ =	shalt  }
0x44: {  	_ =	shalt  }
0x45: {  	_ =	shalt  }
0x46: {  	_ =	shalt  }
0x47: {  	_ =	shalt  }
0x48: {  	_ =	shalt  }
0x49: {  	_ =	shalt  }
0x4a: {  	_ =	shalt  }
0x4b: {  	_ =	shalt  }
0x4c: {  	_ =	shalt  }
0x4d: {  	_ =	shalt  }
0x4e: {  	_ =	shalt  }
0x4f: {  	_ =	shalt  }
0x50: {  	_ =	shalt  }
0x51: {  	_ =	shalt  }
0x52: {  	_ =	shalt  }
0x53: {  	_ =	shalt  }
0x54: {  	_ =	shalt  }
0x55: {  	_ =	shalt  }
0x56: {  	_ =	shalt  }
0x57: {  	_ =	shalt  }
0x58: {  	_ =	shalt  }
0x59: {  	_ =	shalt  }
0x5a: {  	_ =	shalt  }
0x5b: {  	_ =	shalt  }
0x5c: {  	_ =	shalt  }
0x5d: {  	_ =	shalt  }
0x5e: {  	_ =	shalt  }
0x5f: {  	_ =	shalt  }
0x60: {  	_ =	shalt  }
0x61: {  	_ =	shalt  }
0x62: {  	_ =	shalt  }
0x63: {  	_ =	shalt  }
0x64: {  	_ =	shalt  }
0x65: {  	_ =	shalt  }
0x66: {  	_ =	shalt  }
0x67: {  	_ =	shalt  }
0x68: {  	_ =	shalt  }
0x69: {  	_ =	shalt  }
0x6a: {  	_ =	shalt  }
0x6b: {  	_ =	shalt  }
0x6c: {  	_ =	shalt  }
0x6d: {  	_ =	shalt  }
0x6e: {  	_ =	shalt  }
0x6f: {  	_ =	shalt  }
0x70: {  	_ =	shalt  }
0x71: {  	_ =	shalt  }
0x72: {  	_ =	shalt  }
0x73: {  	_ =	shalt  }
0x74: {  	_ =	shalt  }
0x75: {  	_ =	shalt  }
0x76: {  	_ =	shalt  }
0x77: {  	_ =	shalt  }
0x78: {  	_ =	shalt  }
0x79: {  	_ =	shalt  }
0x7a: {  	_ =	shalt  }
0x7b: {  	_ =	shalt  }
0x7c: {  	_ =	shalt  }
0x7d: {  	_ =	shalt  }
0x7e: {  	_ =	shalt  }
0x7f: {  	_ =	shalt  }
0x80: {  	_ =	shalt  }
0x81: {  	_ =	shalt  }
0x82: {  	_ =	shalt  }
0x83: {  	_ =	shalt  }
0x84: {  	_ =	shalt  }
0x85: {  	_ =	shalt  }
0x86: {  	_ =	shalt  }
0x87: {  	_ =	shalt  }
.Lfunc_end0:
.L_simem_size_0:
called_computation_lowered:
.L_overlay_start_0:
0x88: {  	s2 =	sld [smem:$0x3FD9]  }
0x89: {  	s3 =	sld [smem:$0x3FFE];
	_ =	sdelay $0x1  }
0x8a: {  	s1 =	srdreg.scid  }
0x8b: {  	s0 =	sand.u32 $0x1, s1  }
0x8c: {  	s17 =	sshll.u32 s0, $0xA;
	s2 =	sadd.s32 s3, s2  }
0x8d: {  	s2 =	sadd.s32 s2, s17  }
0x8e: {  	[smem:$0x3FC2] =	sst s2  }
0x8f: {  	_ = 	snop  }
0x90: {  	s2 =	sld [smem:$0x3FC7]  }
0x91: {  	s18 =	sld [smem:$0x3FC6];
	(tm) =	ssettm $0x1  }
0x92: {  	s4 =	sld [smem:$0x3FFB];
	_ =	sdelay $0x3  }
0x93: {  	_ =	strace s4  }
0x94: {  	s4 =	sld [smem:$0x3FFC];
	_ =	sdelay $0x3  }
0x95: {  	_ =	strace s4  }
0x96: {  	s4 =	sld [smem:$0x3FFD];
	_ =	sdelay $0x3  }
0x97: {  	_ =	strace s4  }
0x98: {  	_ =	strace $0x8FFFFFFF  }
0x99: {  	s19 =	sld [smem:$0x3FDB];
	_ =	sdelay $0x1  }
0x9a: {  	s5 =	simm.s32 $_scs_section_size  }
0x9b: {  	s6 =	simm.s32 $_size__tile_overlayer_lowered;
	s7 =	simm.s32 $_tile_overlayer_lowered  }
0x9c: {  	s22 =	simm.s32 $0x1BFF;
	s21 =	sshll.u32 s7, $0x1;
	s4 =	sadd.s32 s5, s19  }
0x9d: {  	s8 =	simm.s32 $0x0;
	s20 =	sshll.u32 s6, $0x1;
	s6 =	sadd.s32 s21, s4  }
0x9e: {  	[timem:s8], [sflag:s22] =	dma.local [hbm:s6], s20  }
0x9f: {  	_ =	swait.ge [sflag:s22], s20  }
0xa0: {  	s5 =	ssub.s32 $0x0, s20;
	[sflag:s22] =	ssyncset.done $0x0  }
0xa1: {  	[sflag:s22] =	ssyncadd.s32 s5;
	_ =	sdelay $0x1  }
0xa2: {  	s23 =	simm.s32 $0x1B8B  }
0xa3: {  	_ =	swait.ge [sflag:s23], $0x1  }
0xa4: {  	[sflag:s23] =	ssyncset.done $0x0  }
0xa5: {  	s25 =	simm.s32 $0x1B8E;
	s24 =	sld [smem:$0x3FFE];
	[sflag:s23] =	ssyncadd.s32 $0xFFFFFFFF  }
0xa6: {  	s26 =	simm.s32 $execute0_lowered;
	[smem:$0x3FD2] =	sst s25  }
0xa7: {  	s6 =	sshll.u32 s26, $0x1;
	_ =	strace $0x80000046;
	[dreg:$0x1] =	wrdreg $0xFFFFFFFF  }
0xa8: {  	s28 =	simm.s32 $_size_execute0_lowered;
	s4 =	sadd.s32 s4, s6;
	[dreg:$0x0] =	wrdreg $0x0  }
0xa9: {  	s6 =	sshll.u32 s28, $0x1;
	[dreg:$0x2] =	wrdreg s4  }
0xaa: {  	[dreg:$0x3] =	wrdreg s6  }
0xab: {  	[dreg:$0x4] =	wrdreg $0xC0  }
0xac: {  	_ =	task [dreg:s8], $0x5FFFF  }
0xad: {  	[dreg:$0x1] =	wrdreg $0xFFFFFFFF  }
0xae: {  	[dreg:$0x0] =	wrdreg $0x60  }
0xaf: {  	[dreg:$0x2] =	wrdreg s24  }
0xb0: {  	[dreg:$0x3] =	wrdreg s2  }
0xb1: {  	[dreg:$0x4] =	wrdreg s18  }
0xb2: {  	[dreg:$0x5] =	wrdreg $0x9  }
0xb3: {  	_ =	task.clear_ibuf [dreg:s8], $0x6FFFF;
	_ =	strace $0x90000046  }
0xb4: {  	s29 =	simm.s32 $0x9;
	_ =	strace $0x80000048  }
0xb5: {  	_ =	swait.ge [sflag:s29], $0x1  }
0xb6: {  	[sflag:s29] =	ssyncadd.s32 $0xFFFFFFFF  }
0xb7: {  	_ =	strace $0x90000048  }
0xb8: {  	_ =	sfence  }
0xb9: {  	s30 =	sld [smem:$0x0];
	_ =	sdelay $0x2  }
0xba: {  	s31 =	sshll.u32 s1, $0xD;
	s1 =	sshrl.u32 s1, $0x2  }
0xbb: {  	s3 =	sand.u32 $0x4000, s31;
	s1 =	sadd.s32 s1, s30  }
0xbc: {  	s0 =	sor.u32 s3, s0;
	s1 =	sshll.u32 s1, $0x11  }
0xbd: {  	s0 =	sor.u32 s1, s0  }
0xbe: {  	s0 =	sadd.s32 $0x8F2B, s0  }
0xbf: {  	[sflag:s0] =	ssyncadd.remote.s32 $0x1  }
0xc0: {  	_ =	sfence.sel $0xFFFF  }
0xc1: {  	[dreg:$0x0] =	wrdreg $0xFFFFFFFF;
	(pc) =	sbr.abs _section_cstart, $3  }
0xc2: {  	[dreg:$0x1] =	wrdreg $0xFFFFFFFF  }
0xc3: {  	_ =	task.clear_ibuf [dreg:s8], $0x2FFFF;
	_ =	strace $0x9FFFFFFF  }
0xc4: {  	(tm) =	ssettm $0x7FFFFFFF  }
0xc5: {  	_ =	shalt  }
tec
execute0_lowered:
.L_overlay_start_1:
0x0: {  	(tag) =	ssettag $0x1  }
0x1: {  	s0 =	rddreg [dreg:$0x0]  }
0x2: {  	s2 =	rddreg [dreg:$0x1];
	s1 =	srdreg.scid  }
0x3: {  	s5 =	stileid.u32;
	s3 =	rddreg [dreg:$0x2];
	s7 =	simm.s32 $0x0  }
0x4: {  	s12 =	simm.s32 $0x80;
	s13 =	simm.s32 $0x400;
	s14 =	simm.s32 $0x9  }
0x5: {  	s18 =	simm.s32 $0x7A1400;
	s19 =	simm.s32 $0x10000;
	s28 =	simm.s32 $0x1  }
0x6: {  	s29 =	simm.s32 $0x2;
	s1 =	sand.u32 $0x1, s1;
	s4 =	sshll.u32 s5, $0x1  }
0x7: {  	s30 =	simm.s32 $0x3;
	s31 =	simm.s32 $0x4;
	s4 =	sor.u32 s1, s4  }
0x8: {  	s5 =	sshll.u32 s5, $0xB;
	s1 =	ssub.s32 $0x2, s1;
	s6 =	sshll.u32 s4, $0x4  }
0x9: {  	s15 =	simm.s32 $0x7;
	s20 =	sshrl.u32 s1, $0x1;
	s5 =	sor.u32 s5, s6  }
0xa: {  	s16 =	simm.s32 $0x8;
	s1 =	ssub.s32 s1, s20;
	s5 =	sand.u32 $0x6070, s5  }
0xb: {  	[smem:$0x7FF] =	sst s7;
	s26 =	smax.u32 s1, $0x1;
	s5 =	sadd.s32 s5, s0  }
0xc: {  	_ =	strace $0x80000047;
	[dreg:$0xa] =	wrdreg s26;
	s21 =	sadd.s32 $0x9000, s5  }
0xd: {  	s4 =	sshll.u32 s4, $0xC;
	s22 =	sadd.s32 $0x1000, s5;
	[dreg:$0x4] =	wrdreg s21  }
0xe: {  	s20 =	simm.s32 $0x12000;
	s23 =	sadd.s32 $0x19000, s5;
	[dreg:$0x5] =	wrdreg s22  }
0xf: {  	s0 =	sadd.s32 s4, s0;
	s24 =	sadd.s32 $0x11000, s5;
	[dreg:$0x6] =	wrdreg s23  }
.Ltmp0:
0x10: {  	s25 =	sadd.s32 $0x21000, s0;
	[dreg:$0x7] =	wrdreg s24;
	(pc) =	sbr.rel .LBB2_1-.Ltmp0, $4  }
0x11: {  	v0 =	vlaneseq.u32;
	s1 =	simm.s32 $0x5;
	s0 =	sadd.s32 $0x41000, s0;
	[dreg:$0x8] =	wrdreg s25  }
0x12: {  	v0 =	vmul.u32 $0x80, v0;
	s26 =	simm.s32 $0x1E000;
	s4 =	simm.s32 $0x0;
	[dreg:$0x9] =	wrdreg s0  }
0x13: {  	s21 =	simm.s32 $0x14000;
	s22 =	simm.s32 $0x16000;
	s23 =	simm.s32 $0x18000  }
0x14: {  	v1 =	vor.u32 $0x800, v0;
	v2 =	vor.u32 $0x1000, v0;
	v3 =	vor.u32 $0x1800, v0;
	s24 =	simm.s32 $0x1A000;
	s25 =	simm.s32 $0x1C000;
	s0 =	simm.s32 $0x6  }
.LBB2_7:
0x15: {  	s7 =	simm.s32 $0x0;
	s5 =	rddreg [dreg:$0x9];
	s6 =	simm.s32 $0x8000  }
0x16: {  	[hbm4b:s5+s7] =	stream.linear.scatter [tilespmem:s6], [sflag:$0x9], $0x8000, $0x38;
	v63 =	vld [tilespmem:$0x0]  }
0x17: {  	_ =	swait.ge [sflag:s14], $0x8000  }
0x18: {  	s4 =	sadd.s32 $0x1, s4;
	s17 =	rddreg [dreg:$0xa]  }
0x19: {  	p0 =	sne.s32 s4, s17  }
.Ltmp1:
0x1a: {  	_ = 	snop;
	(pc) =	sbr.rel @!p0 .LBB2_8-.Ltmp1, $3  }
0x1b: {  	_ =	sdelay $0x1  }
0x1c: {  	[sflag:s14] =	ssyncset.done $0x0  }
0x1d: {  	[sflag:s14] =	ssyncadd.s32 $0xFFFF8000  }
.LBB2_1:
0x1e: {  	s5 =	rddreg [dreg:$0x4]  }
0x1f: {  	[tilespmem:s7], [sflag:$0x9] =	stream.strided.gather [hbm4b:s5+s12], $0x2000, s13, s12, $0x38;
	v63 =	vld [tilespmem:$0x0]  }
0x20: {  	_ =	swait.ge [sflag:s14], $0x2000  }
0x21: {  	[sflag:s14] =	ssyncset.done $0x0  }
0x22: {  	s6 =	simm.s32 $0x2000;
	s7 =	rddreg [dreg:$0x5];
	[sflag:s14] =	ssyncadd.s32 $0xFFFFE000  }
0x23: {  	[tilespmem:s6], [sflag:$0x9] =	stream.strided.gather [hbm4b:s7+s12], $0x2000, s13, s12, $0x38;
	v63 =	vld [tilespmem:$0x0]  }
0x24: {  	_ =	swait.ge [sflag:s14], $0x2000  }
0x25: {  	[sflag:s14] =	ssyncset.done $0x0  }
0x26: {  	s9 =	simm.s32 $0x4000;
	s8 =	rddreg [dreg:$0x6];
	[sflag:s14] =	ssyncadd.s32 $0xFFFFE000  }
0x27: {  	[tilespmem:s9], [sflag:$0x9] =	stream.strided.gather [hbm4b:s8+s12], $0x2000, s13, s12, $0x38;
	v63 =	vld [tilespmem:$0x0]  }
0x28: {  	_ =	swait.ge [sflag:s14], $0x2000  }
0x29: {  	[sflag:s14] =	ssyncset.done $0x0  }
0x2a: {  	s11 =	simm.s32 $0x6000;
	s10 =	rddreg [dreg:$0x7];
	[sflag:s14] =	ssyncadd.s32 $0xFFFFE000  }
0x2b: {  	[tilespmem:s11], [sflag:$0x9] =	stream.strided.gather [hbm4b:s10+s12], $0x2000, s13, s12, $0x38;
	v63 =	vld [tilespmem:$0x0]  }
0x2c: {  	_ =	swait.ge [sflag:s14], $0x2000  }
0x2d: {  	[sflag:s14] =	ssyncset.done $0x0  }
0x2e: {  	[sflag:s14] =	ssyncadd.s32 $0xFFFFE000  }
0x2f: {  	v4 =	vld [tilespmem:$0x0];
	_ =	sdelay $0x4  }
0x30: {  	(v2sf) =	vpush v4, $0x0;
	_ =	sdelay $0xe  }
0x31: {  	s17 =	spop (v2sf)  }
0x32: {  	s5 =	sand.u32 $0xFFFFF80, s17  }
0x33: {  	s5 =	sadd.s32 s2, s5  }
0x34: {  	[tilespmem:s19], [sflag:$0x1] =	stream.strided.gather [hbm4b:s5+s13], $0x2000, s18, s13, $0x38;
	v63 =	vld [tilespmem:$0x0]  }
0x35: {  	v4 =	vld [tilespmem:$0x10];
	_ =	sdelay $0x4  }
0x36: {  	(v2sf) =	vpush v4, $0x0;
	_ =	sdelay $0xe  }
0x37: {  	s6 =	spop (v2sf)  }
0x38: {  	s5 =	sand.u32 $0xFFFFF80, s6  }
0x39: {  	s5 =	sadd.s32 s2, s5  }
0x3a: {  	[tilespmem:s20], [sflag:$0x2] =	stream.strided.gather [hbm4b:s5+s13], $0x2000, s18, s13, $0x38;
	v63 =	vld [tilespmem:$0x0]  }
0x3b: {  	v4 =	vld [tilespmem:$0x20];
	_ =	sdelay $0x4  }
0x3c: {  	(v2sf) =	vpush v4, $0x0;
	_ =	sdelay $0xe  }
0x3d: {  	s7 =	spop (v2sf)  }
0x3e: {  	s5 =	sand.u32 $0xFFFFF80, s7  }
0x3f: {  	s5 =	sadd.s32 s2, s5  }
0x40: {  	[tilespmem:s21], [sflag:$0x3] =	stream.strided.gather [hbm4b:s5+s13], $0x2000, s18, s13, $0x38;
	v63 =	vld [tilespmem:$0x0]  }
0x41: {  	v4 =	vld [tilespmem:$0x30];
	_ =	sdelay $0x4  }
0x42: {  	(v2sf) =	vpush v4, $0x0;
	_ =	sdelay $0xe  }
0x43: {  	s8 =	spop (v2sf)  }
0x44: {  	s5 =	sand.u32 $0xFFFFF80, s8  }
0x45: {  	s5 =	sadd.s32 s2, s5  }
0x46: {  	[tilespmem:s22], [sflag:$0x4] =	stream.strided.gather [hbm4b:s5+s13], $0x2000, s18, s13, $0x38;
	v63 =	vld [tilespmem:$0x0]  }
0x47: {  	v4 =	vld [tilespmem:$0x40];
	_ =	sdelay $0x4  }
0x48: {  	(v2sf) =	vpush v4, $0x0;
	_ =	sdelay $0xe  }
0x49: {  	s9 =	spop (v2sf)  }
0x4a: {  	s5 =	sand.u32 $0xFFFFF80, s9  }
0x4b: {  	s5 =	sadd.s32 s2, s5  }
0x4c: {  	[tilespmem:s23], [sflag:$0x5] =	stream.strided.gather [hbm4b:s5+s13], $0x2000, s18, s13, $0x38;
	v63 =	vld [tilespmem:$0x0]  }
0x4d: {  	v4 =	vld [tilespmem:$0x50];
	_ =	sdelay $0x4  }
0x4e: {  	(v2sf) =	vpush v4, $0x0;
	_ =	sdelay $0xe  }
0x4f: {  	s10 =	spop (v2sf)  }
0x50: {  	s5 =	sand.u32 $0xFFFFF80, s10  }
0x51: {  	s5 =	sadd.s32 s2, s5  }
0x52: {  	[tilespmem:s24], [sflag:$0x6] =	stream.strided.gather [hbm4b:s5+s13], $0x2000, s18, s13, $0x38;
	v63 =	vld [tilespmem:$0x0]  }
0x53: {  	v4 =	vld [tilespmem:$0x60];
	_ =	sdelay $0x4  }
0x54: {  	(v2sf) =	vpush v4, $0x0;
	_ =	sdelay $0xe  }
0x55: {  	s11 =	spop (v2sf)  }
0x56: {  	s5 =	sand.u32 $0xFFFFF80, s11  }
0x57: {  	s5 =	sadd.s32 s2, s5  }
0x58: {  	[tilespmem:s25], [sflag:$0x7] =	stream.strided.gather [hbm4b:s5+s13], $0x2000, s18, s13, $0x38;
	v63 =	vld [tilespmem:$0x0]  }
0x59: {  	v4 =	vld [tilespmem:$0x70];
	_ =	sdelay $0x4  }
0x5a: {  	(v2sf) =	vpush v4, $0x0;
	_ =	sdelay $0xe  }
0x5b: {  	s17 =	spop (v2sf)  }
0x5c: {  	s5 =	sand.u32 $0xFFFFF80, s17  }
0x5d: {  	s5 =	sadd.s32 s2, s5  }
0x5e: {  	[tilespmem:s26], [sflag:$0x8] =	stream.strided.gather [hbm4b:s5+s13], $0x2000, s18, s13, $0x38;
	v63 =	vld [tilespmem:$0x0]  }
0x5f: {  	s6 =	simm.s32 $0x0;
	s5 =	simm.s32 $0x8100  }
.LBB2_2:
0x60: {  	_ =	swait.ge [sflag:s28], $0x2000  }
0x61: {  	[sflag:s28] =	ssyncset.done $0x0  }
0x62: {  	s7 =	sshra.s32 s6, $0x2;
	[sflag:s28] =	ssyncadd.s32 $0xFFFFE000  }
0x63: {  	v4 =	vld [tilespmem:s7+$0x2000];
	_ =	sdelay $0x4  }
0x64: {  	v5 =	vadd.s32 v0, v4;
	_ =	sdelay $0x4  }
0x65: {  	v5 =	vld.idx.msk [tilespmem:v5+s19+$0x0], $0xffff  }
0x66: {  	v6 =	vadd.s32 v1, v4;
	_ =	sdelay $0x3  }
0x67: {  	[tilespmem:s5+$0xFFFFFF00] =	vst v5  }
0x68: {  	v5 =	vld.idx.msk [tilespmem:v6+s19+$0x0], $0xffff  }
0x69: {  	v48 =	vadd.s32 v2, v4;
	_ =	sdelay $0x3  }
0x6a: {  	[tilespmem:s5+$0xFFFFFF10] =	vst v5  }
0x6b: {  	v5 =	vld.idx.msk [tilespmem:v48+s19+$0x0], $0xffff  }
0x6c: {  	v4 =	vadd.s32 v3, v4;
	_ =	sdelay $0x3  }
0x6d: {  	[tilespmem:s5+$0xFFFFFF20] =	vst v5  }
0x6e: {  	v4 =	vld.idx.msk [tilespmem:v4+s19+$0x0], $0xffff;
	_ =	sdelay $0x3  }
0x6f: {  	p0 =	seq.s32 s6, $0x7E00  }
0x70: {  	s8 =	sshra.s32 @!p0 s6, $0x2;
	[tilespmem:s5+$0xFFFFFF30] =	vst v4  }
0x71: {  	v4 =	vld @!p0 [tilespmem:s8+$0x80];
	_ =	sdelay $0x4  }
0x72: {  	(v2sf) =	vpush @!p0 v4, $0x0;
	_ =	sdelay $0xe  }
0x73: {  	s9 =	spop @!p0 (v2sf)  }
0x74: {  	s10 =	simm.s32 @!p0 $0x7A1400;
	s9 =	sand.u32 @!p0 $0xFFFFF80, s9  }
0x75: {  	s17 =	simm.s32 @!p0 $0x10000;
	s11 =	sadd.s32 @!p0 s2, s9;
	s9 =	simm.s32 @!p0 $0x400  }
0x76: {  	[tilespmem:s17], [sflag:$0x1] =	stream.strided.gather @!p0 [hbm4b:s11+s9], $0x2000, s10, s9, $0x38;
	v63 =	vld [tilespmem:$0x0]  }
0x77: {  	_ =	swait.ge [sflag:s29], $0x2000  }
0x78: {  	[sflag:s29] =	ssyncset.done $0x0  }
0x79: {  	[sflag:s29] =	ssyncadd.s32 $0xFFFFE000  }
0x7a: {  	v4 =	vld [tilespmem:s7+$0x2010];
	_ =	sdelay $0x4  }
0x7b: {  	v5 =	vadd.s32 v0, v4;
	_ =	sdelay $0x4  }
0x7c: {  	v5 =	vld.idx.msk [tilespmem:v5+s20+$0x0], $0xffff  }
0x7d: {  	v49 =	vadd.s32 v1, v4;
	_ =	sdelay $0x3  }
0x7e: {  	[tilespmem:s5+$0xFFFFFF40] =	vst v5  }
0x7f: {  	v5 =	vld.idx.msk [tilespmem:v49+s20+$0x0], $0xffff  }
0x80: {  	v50 =	vadd.s32 v2, v4;
	_ =	sdelay $0x3  }
0x81: {  	[tilespmem:s5+$0xFFFFFF50] =	vst v5  }
0x82: {  	v5 =	vld.idx.msk [tilespmem:v50+s20+$0x0], $0xffff  }
0x83: {  	v4 =	vadd.s32 v3, v4;
	_ =	sdelay $0x3  }
0x84: {  	[tilespmem:s5+$0xFFFFFF60] =	vst v5  }
0x85: {  	v4 =	vld.idx.msk [tilespmem:v4+s20+$0x0], $0xffff;
	_ =	sdelay $0x4  }
0x86: {  	[tilespmem:s5+$0xFFFFFF70] =	vst v4  }
0x87: {  	v4 =	vld @!p0 [tilespmem:s8+$0x90];
	_ =	sdelay $0x4  }
0x88: {  	(v2sf) =	vpush @!p0 v4, $0x0;
	_ =	sdelay $0xe  }
0x89: {  	s11 =	spop @!p0 (v2sf)  }
0x8a: {  	s11 =	sand.u32 @!p0 $0xFFFFF80, s11  }
0x8b: {  	s17 =	simm.s32 @!p0 $0x12000;
	s11 =	sadd.s32 @!p0 s2, s11  }
0x8c: {  	[tilespmem:s17], [sflag:$0x2] =	stream.strided.gather @!p0 [hbm4b:s11+s9], $0x2000, s10, s9, $0x38;
	v63 =	vld [tilespmem:$0x0]  }
0x8d: {  	_ =	swait.ge [sflag:s30], $0x2000  }
0x8e: {  	[sflag:s30] =	ssyncset.done $0x0  }
0x8f: {  	[sflag:s30] =	ssyncadd.s32 $0xFFFFE000  }
0x90: {  	v4 =	vld [tilespmem:s7+$0x2020];
	_ =	sdelay $0x4  }
0x91: {  	v5 =	vadd.s32 v0, v4;
	_ =	sdelay $0x4  }
0x92: {  	v5 =	vld.idx.msk [tilespmem:v5+s21+$0x0], $0xffff  }
0x93: {  	v51 =	vadd.s32 v1, v4;
	_ =	sdelay $0x3  }
0x94: {  	[tilespmem:s5+$0xFFFFFF80] =	vst v5  }
0x95: {  	v5 =	vld.idx.msk [tilespmem:v51+s21+$0x0], $0xffff  }
0x96: {  	v52 =	vadd.s32 v2, v4;
	_ =	sdelay $0x3  }
0x97: {  	[tilespmem:s5+$0xFFFFFF90] =	vst v5  }
0x98: {  	v5 =	vld.idx.msk [tilespmem:v52+s21+$0x0], $0xffff  }
0x99: {  	v4 =	vadd.s32 v3, v4;
	_ =	sdelay $0x3  }
0x9a: {  	[tilespmem:s5+$0xFFFFFFA0] =	vst v5  }
0x9b: {  	v4 =	vld.idx.msk [tilespmem:v4+s21+$0x0], $0xffff;
	_ =	sdelay $0x4  }
0x9c: {  	[tilespmem:s5+$0xFFFFFFB0] =	vst v4  }
0x9d: {  	v4 =	vld @!p0 [tilespmem:s8+$0xA0];
	_ =	sdelay $0x4  }
0x9e: {  	(v2sf) =	vpush @!p0 v4, $0x0;
	_ =	sdelay $0xe  }
0x9f: {  	s11 =	spop @!p0 (v2sf)  }
0xa0: {  	s11 =	sand.u32 @!p0 $0xFFFFF80, s11  }
0xa1: {  	s17 =	simm.s32 @!p0 $0x14000;
	s11 =	sadd.s32 @!p0 s2, s11  }
0xa2: {  	[tilespmem:s17], [sflag:$0x3] =	stream.strided.gather @!p0 [hbm4b:s11+s9], $0x2000, s10, s9, $0x38;
	v63 =	vld [tilespmem:$0x0]  }
0xa3: {  	_ =	swait.ge [sflag:s31], $0x2000  }
0xa4: {  	[sflag:s31] =	ssyncset.done $0x0  }
0xa5: {  	[sflag:s31] =	ssyncadd.s32 $0xFFFFE000  }
0xa6: {  	v4 =	vld [tilespmem:s7+$0x2030];
	_ =	sdelay $0x4  }
0xa7: {  	v5 =	vadd.s32 v0, v4;
	_ =	sdelay $0x4  }
0xa8: {  	v5 =	vld.idx.msk [tilespmem:v5+s22+$0x0], $0xffff  }
0xa9: {  	v53 =	vadd.s32 v1, v4;
	_ =	sdelay $0x3  }
0xaa: {  	[tilespmem:s5+$0xFFFFFFC0] =	vst v5  }
0xab: {  	v5 =	vld.idx.msk [tilespmem:v53+s22+$0x0], $0xffff  }
0xac: {  	v54 =	vadd.s32 v2, v4;
	_ =	sdelay $0x3  }
0xad: {  	[tilespmem:s5+$0xFFFFFFD0] =	vst v5  }
0xae: {  	v5 =	vld.idx.msk [tilespmem:v54+s22+$0x0], $0xffff  }
0xaf: {  	v4 =	vadd.s32 v3, v4;
	_ =	sdelay $0x3  }
0xb0: {  	[tilespmem:s5+$0xFFFFFFE0] =	vst v5  }
0xb1: {  	v4 =	vld.idx.msk [tilespmem:v4+s22+$0x0], $0xffff;
	_ =	sdelay $0x4  }
0xb2: {  	[tilespmem:s5+$0xFFFFFFF0] =	vst v4  }
0xb3: {  	v4 =	vld @!p0 [tilespmem:s8+$0xB0];
	_ =	sdelay $0x4  }
0xb4: {  	(v2sf) =	vpush @!p0 v4, $0x0;
	_ =	sdelay $0xe  }
0xb5: {  	s11 =	spop @!p0 (v2sf)  }
0xb6: {  	s11 =	sand.u32 @!p0 $0xFFFFF80, s11  }
0xb7: {  	s17 =	simm.s32 @!p0 $0x16000;
	s11 =	sadd.s32 @!p0 s2, s11  }
0xb8: {  	[tilespmem:s17], [sflag:$0x4] =	stream.strided.gather @!p0 [hbm4b:s11+s9], $0x2000, s10, s9, $0x38;
	v63 =	vld [tilespmem:$0x0]  }
0xb9: {  	_ =	swait.ge [sflag:s1], $0x2000  }
0xba: {  	[sflag:s1] =	ssyncset.done $0x0  }
0xbb: {  	[sflag:s1] =	ssyncadd.s32 $0xFFFFE000  }
0xbc: {  	v4 =	vld [tilespmem:s7+$0x2040];
	_ =	sdelay $0x4  }
0xbd: {  	v5 =	vadd.s32 v0, v4;
	_ =	sdelay $0x4  }
0xbe: {  	v5 =	vld.idx.msk [tilespmem:v5+s23+$0x0], $0xffff  }
0xbf: {  	v55 =	vadd.s32 v1, v4;
	_ =	sdelay $0x3  }
0xc0: {  	[tilespmem:s5+$0x0] =	vst v5  }
0xc1: {  	v5 =	vld.idx.msk [tilespmem:v55+s23+$0x0], $0xffff  }
0xc2: {  	v56 =	vadd.s32 v2, v4;
	_ =	sdelay $0x3  }
0xc3: {  	[tilespmem:s5+$0x10] =	vst v5  }
0xc4: {  	v5 =	vld.idx.msk [tilespmem:v56+s23+$0x0], $0xffff  }
0xc5: {  	v4 =	vadd.s32 v3, v4;
	_ =	sdelay $0x3  }
0xc6: {  	[tilespmem:s5+$0x20] =	vst v5  }
0xc7: {  	v4 =	vld.idx.msk [tilespmem:v4+s23+$0x0], $0xffff;
	_ =	sdelay $0x4  }
0xc8: {  	[tilespmem:s5+$0x30] =	vst v4  }
0xc9: {  	v4 =	vld @!p0 [tilespmem:s8+$0xC0];
	_ =	sdelay $0x4  }
0xca: {  	(v2sf) =	vpush @!p0 v4, $0x0;
	_ =	sdelay $0xe  }
0xcb: {  	s11 =	spop @!p0 (v2sf)  }
0xcc: {  	s11 =	sand.u32 @!p0 $0xFFFFF80, s11  }
0xcd: {  	s17 =	simm.s32 @!p0 $0x18000;
	s11 =	sadd.s32 @!p0 s2, s11  }
0xce: {  	[tilespmem:s17], [sflag:$0x5] =	stream.strided.gather @!p0 [hbm4b:s11+s9], $0x2000, s10, s9, $0x38;
	v63 =	vld [tilespmem:$0x0]  }
0xcf: {  	_ =	swait.ge [sflag:s0], $0x2000  }
0xd0: {  	[sflag:s0] =	ssyncset.done $0x0  }
0xd1: {  	[sflag:s0] =	ssyncadd.s32 $0xFFFFE000  }
0xd2: {  	v4 =	vld [tilespmem:s7+$0x2050];
	_ =	sdelay $0x4  }
0xd3: {  	v5 =	vadd.s32 v0, v4;
	_ =	sdelay $0x4  }
0xd4: {  	v5 =	vld.idx.msk [tilespmem:v5+s24+$0x0], $0xffff  }
0xd5: {  	v57 =	vadd.s32 v1, v4;
	_ =	sdelay $0x3  }
0xd6: {  	[tilespmem:s5+$0x40] =	vst v5  }
0xd7: {  	v5 =	vld.idx.msk [tilespmem:v57+s24+$0x0], $0xffff  }
0xd8: {  	v58 =	vadd.s32 v2, v4;
	_ =	sdelay $0x3  }
0xd9: {  	[tilespmem:s5+$0x50] =	vst v5  }
0xda: {  	v5 =	vld.idx.msk [tilespmem:v58+s24+$0x0], $0xffff  }
0xdb: {  	v4 =	vadd.s32 v3, v4;
	_ =	sdelay $0x3  }
0xdc: {  	[tilespmem:s5+$0x60] =	vst v5  }
0xdd: {  	v4 =	vld.idx.msk [tilespmem:v4+s24+$0x0], $0xffff;
	_ =	sdelay $0x4  }
0xde: {  	[tilespmem:s5+$0x70] =	vst v4  }
0xdf: {  	v4 =	vld @!p0 [tilespmem:s8+$0xD0];
	_ =	sdelay $0x4  }
0xe0: {  	(v2sf) =	vpush @!p0 v4, $0x0;
	_ =	sdelay $0xe  }
0xe1: {  	s11 =	spop @!p0 (v2sf)  }
0xe2: {  	s11 =	sand.u32 @!p0 $0xFFFFF80, s11  }
0xe3: {  	s17 =	simm.s32 @!p0 $0x1A000;
	s11 =	sadd.s32 @!p0 s2, s11  }
0xe4: {  	[tilespmem:s17], [sflag:$0x6] =	stream.strided.gather @!p0 [hbm4b:s11+s9], $0x2000, s10, s9, $0x38;
	v63 =	vld [tilespmem:$0x0]  }
0xe5: {  	_ =	swait.ge [sflag:s15], $0x2000  }
0xe6: {  	[sflag:s15] =	ssyncset.done $0x0  }
0xe7: {  	[sflag:s15] =	ssyncadd.s32 $0xFFFFE000  }
0xe8: {  	v4 =	vld [tilespmem:s7+$0x2060];
	_ =	sdelay $0x4  }
0xe9: {  	v5 =	vadd.s32 v0, v4;
	_ =	sdelay $0x4  }
0xea: {  	v5 =	vld.idx.msk [tilespmem:v5+s25+$0x0], $0xffff  }
0xeb: {  	v59 =	vadd.s32 v1, v4;
	_ =	sdelay $0x3  }
0xec: {  	[tilespmem:s5+$0x80] =	vst v5  }
0xed: {  	v5 =	vld.idx.msk [tilespmem:v59+s25+$0x0], $0xffff  }
0xee: {  	v60 =	vadd.s32 v2, v4;
	_ =	sdelay $0x3  }
0xef: {  	[tilespmem:s5+$0x90] =	vst v5  }
0xf0: {  	v5 =	vld.idx.msk [tilespmem:v60+s25+$0x0], $0xffff  }
0xf1: {  	v4 =	vadd.s32 v3, v4;
	_ =	sdelay $0x3  }
0xf2: {  	[tilespmem:s5+$0xA0] =	vst v5  }
0xf3: {  	v4 =	vld.idx.msk [tilespmem:v4+s25+$0x0], $0xffff;
	_ =	sdelay $0x4  }
0xf4: {  	[tilespmem:s5+$0xB0] =	vst v4  }
0xf5: {  	v4 =	vld @!p0 [tilespmem:s8+$0xE0];
	_ =	sdelay $0x4  }
0xf6: {  	(v2sf) =	vpush @!p0 v4, $0x0;
	_ =	sdelay $0xe  }
0xf7: {  	s8 =	spop @!p0 (v2sf)  }
0xf8: {  	s8 =	sand.u32 @!p0 $0xFFFFF80, s8  }
0xf9: {  	s11 =	simm.s32 @!p0 $0x1C000;
	s8 =	sadd.s32 @!p0 s2, s8  }
0xfa: {  	[tilespmem:s11], [sflag:$0x7] =	stream.strided.gather @!p0 [hbm4b:s8+s9], $0x2000, s10, s9, $0x38;
	v63 =	vld [tilespmem:$0x0]  }
0xfb: {  	_ =	swait.ge [sflag:s16], $0x2000  }
0xfc: {  	[sflag:s16] =	ssyncset.done $0x0  }
0xfd: {  	[sflag:s16] =	ssyncadd.s32 $0xFFFFE000  }
0xfe: {  	v4 =	vld [tilespmem:s7+$0x2070];
	_ =	sdelay $0x4  }
0xff: {  	v5 =	vadd.s32 v0, v4;
	_ =	sdelay $0x4  }
0x100: {  	v5 =	vld.idx.msk [tilespmem:v5+s26+$0x0], $0xffff  }
0x101: {  	v61 =	vadd.s32 v1, v4;
	_ =	sdelay $0x3  }
0x102: {  	[tilespmem:s5+$0xC0] =	vst v5  }
0x103: {  	v5 =	vld.idx.msk [tilespmem:v61+s26+$0x0], $0xffff  }
0x104: {  	v62 =	vadd.s32 v2, v4;
	_ =	sdelay $0x3  }
0x105: {  	[tilespmem:s5+$0xD0] =	vst v5  }
0x106: {  	v5 =	vld.idx.msk [tilespmem:v62+s26+$0x0], $0xffff  }
0x107: {  	v4 =	vadd.s32 v3, v4;
	_ =	sdelay $0x3  }
0x108: {  	[tilespmem:s5+$0xE0] =	vst v5  }
0x109: {  	v4 =	vld.idx.msk [tilespmem:v4+s26+$0x0], $0xffff  }
.Ltmp2:
0x10a: {  	_ = 	snop;
	(pc) =	sbr.rel @p0 .LBB2_4-.Ltmp2, $2  }
0x10b: {  	_ =	sdelay $0x2  }
0x10c: {  	[tilespmem:s5+$0xF0] =	vst v4  }
0x10d: {  	v4 =	vld [tilespmem:s7+$0xF0];
	_ =	sdelay $0x4  }
0x10e: {  	(v2sf) =	vpush v4, $0x0;
	_ =	sdelay $0xd  }
.Ltmp3:
0x10f: {  	_ = 	snop;
	(pc) =	sbr.rel .LBB2_2-.Ltmp3, $4  }
0x110: {  	s17 =	spop (v2sf)  }
0x111: {  	s7 =	sand.u32 $0xFFFFF80, s17  }
0x112: {  	s6 =	sadd.s32 $0x200, s6;
	s5 =	sadd.s32 $0x200, s5;
	s7 =	sadd.s32 s2, s7  }
0x113: {  	[tilespmem:s26], [sflag:$0x8] =	stream.strided.gather [hbm4b:s7+s13], $0x2000, s18, s13, $0x38;
	v63 =	vld [tilespmem:$0x0]  }
.LBB2_4:
0x114: {  	s5 =	simm.s32 $0x0;
	s6 =	rddreg [dreg:$0x8];
	s7 =	simm.s32 $0x8000  }
0x115: {  	[hbm4b:s6+s5] =	stream.linear.scatter [tilespmem:s7], [sflag:$0x9], $0x8000, $0x38;
	v63 =	vld [tilespmem:$0x0]  }
0x116: {  	_ =	swait.ge [sflag:s14], $0x8000  }
0x117: {  	[sflag:s14] =	ssyncset.done $0x0  }
0x118: {  	[sflag:s14] =	ssyncadd.s32 $0xFFFF8000  }
0x119: {  	v4 =	vld [tilespmem:$0x4000];
	_ =	sdelay $0x4  }
0x11a: {  	(v2sf) =	vpush v4, $0x0;
	_ =	sdelay $0xe  }
0x11b: {  	s11 =	spop (v2sf)  }
0x11c: {  	s6 =	sand.u32 $0xFFFFF80, s11  }
0x11d: {  	s6 =	sadd.s32 s3, s6  }
0x11e: {  	[tilespmem:s19], [sflag:$0x1] =	stream.strided.gather [hbm4b:s6+s13], $0x2000, s18, s13, $0x38;
	v63 =	vld [tilespmem:$0x0]  }
0x11f: {  	v4 =	vld [tilespmem:$0x4010];
	_ =	sdelay $0x4  }
0x120: {  	(v2sf) =	vpush v4, $0x0;
	_ =	sdelay $0xe  }
0x121: {  	s17 =	spop (v2sf)  }
0x122: {  	s6 =	sand.u32 $0xFFFFF80, s17  }
0x123: {  	s6 =	sadd.s32 s3, s6  }
0x124: {  	[tilespmem:s20], [sflag:$0x2] =	stream.strided.gather [hbm4b:s6+s13], $0x2000, s18, s13, $0x38;
	v63 =	vld [tilespmem:$0x0]  }
0x125: {  	v4 =	vld [tilespmem:$0x4020];
	_ =	sdelay $0x4  }
0x126: {  	(v2sf) =	vpush v4, $0x0;
	_ =	sdelay $0xe  }
0x127: {  	s7 =	spop (v2sf)  }
0x128: {  	s6 =	sand.u32 $0xFFFFF80, s7  }
0x129: {  	s6 =	sadd.s32 s3, s6  }
0x12a: {  	[tilespmem:s21], [sflag:$0x3] =	stream.strided.gather [hbm4b:s6+s13], $0x2000, s18, s13, $0x38;
	v63 =	vld [tilespmem:$0x0]  }
0x12b: {  	v4 =	vld [tilespmem:$0x4030];
	_ =	sdelay $0x4  }
0x12c: {  	(v2sf) =	vpush v4, $0x0;
	_ =	sdelay $0xe  }
0x12d: {  	s8 =	spop (v2sf)  }
0x12e: {  	s6 =	sand.u32 $0xFFFFF80, s8  }
0x12f: {  	s6 =	sadd.s32 s3, s6  }
0x130: {  	[tilespmem:s22], [sflag:$0x4] =	stream.strided.gather [hbm4b:s6+s13], $0x2000, s18, s13, $0x38;
	v63 =	vld [tilespmem:$0x0]  }
0x131: {  	v4 =	vld [tilespmem:$0x4040];
	_ =	sdelay $0x4  }
0x132: {  	(v2sf) =	vpush v4, $0x0;
	_ =	sdelay $0xe  }
0x133: {  	s9 =	spop (v2sf)  }
0x134: {  	s6 =	sand.u32 $0xFFFFF80, s9  }
0x135: {  	s6 =	sadd.s32 s3, s6  }
0x136: {  	[tilespmem:s23], [sflag:$0x5] =	stream.strided.gather [hbm4b:s6+s13], $0x2000, s18, s13, $0x38;
	v63 =	vld [tilespmem:$0x0]  }
0x137: {  	v4 =	vld [tilespmem:$0x4050];
	_ =	sdelay $0x4  }
0x138: {  	(v2sf) =	vpush v4, $0x0;
	_ =	sdelay $0xe  }
0x139: {  	s10 =	spop (v2sf)  }
0x13a: {  	s6 =	sand.u32 $0xFFFFF80, s10  }
0x13b: {  	s6 =	sadd.s32 s3, s6  }
0x13c: {  	[tilespmem:s24], [sflag:$0x6] =	stream.strided.gather [hbm4b:s6+s13], $0x2000, s18, s13, $0x38;
	v63 =	vld [tilespmem:$0x0]  }
0x13d: {  	v4 =	vld [tilespmem:$0x4060];
	_ =	sdelay $0x4  }
0x13e: {  	(v2sf) =	vpush v4, $0x0;
	_ =	sdelay $0xe  }
0x13f: {  	s11 =	spop (v2sf)  }
0x140: {  	s6 =	sand.u32 $0xFFFFF80, s11  }
0x141: {  	s6 =	sadd.s32 s3, s6  }
0x142: {  	[tilespmem:s25], [sflag:$0x7] =	stream.strided.gather [hbm4b:s6+s13], $0x2000, s18, s13, $0x38;
	v63 =	vld [tilespmem:$0x0]  }
0x143: {  	v4 =	vld [tilespmem:$0x4070];
	_ =	sdelay $0x4  }
0x144: {  	(v2sf) =	vpush v4, $0x0;
	_ =	sdelay $0xe  }
0x145: {  	s17 =	spop (v2sf)  }
0x146: {  	s6 =	sand.u32 $0xFFFFF80, s17  }
0x147: {  	s6 =	sadd.s32 s3, s6  }
0x148: {  	[tilespmem:s26], [sflag:$0x8] =	stream.strided.gather [hbm4b:s6+s13], $0x2000, s18, s13, $0x38;
	v63 =	vld [tilespmem:$0x0]  }
0x149: {  	s6 =	simm.s32 $0x8100  }
.LBB2_5:
0x14a: {  	_ =	swait.ge [sflag:s28], $0x2000  }
0x14b: {  	[sflag:s28] =	ssyncset.done $0x0  }
0x14c: {  	s7 =	sshra.s32 s5, $0x2;
	[sflag:s28] =	ssyncadd.s32 $0xFFFFE000  }
0x14d: {  	v4 =	vld [tilespmem:s7+$0x6000];
	_ =	sdelay $0x4  }
0x14e: {  	v5 =	vadd.s32 v0, v4;
	_ =	sdelay $0x4  }
0x14f: {  	v5 =	vld.idx.msk [tilespmem:v5+s19+$0x0], $0xffff  }
0x150: {  	v6 =	vadd.s32 v1, v4;
	_ =	sdelay $0x3  }
0x151: {  	[tilespmem:s6+$0xFFFFFF00] =	vst v5  }
0x152: {  	v5 =	vld.idx.msk [tilespmem:v6+s19+$0x0], $0xffff  }
0x153: {  	v48 =	vadd.s32 v2, v4;
	_ =	sdelay $0x3  }
0x154: {  	[tilespmem:s6+$0xFFFFFF10] =	vst v5  }
0x155: {  	v5 =	vld.idx.msk [tilespmem:v48+s19+$0x0], $0xffff  }
0x156: {  	v4 =	vadd.s32 v3, v4;
	_ =	sdelay $0x3  }
0x157: {  	[tilespmem:s6+$0xFFFFFF20] =	vst v5  }
0x158: {  	v4 =	vld.idx.msk [tilespmem:v4+s19+$0x0], $0xffff;
	_ =	sdelay $0x3  }
0x159: {  	p0 =	seq.s32 s5, $0x7E00  }
0x15a: {  	s8 =	sshra.s32 @!p0 s5, $0x2;
	[tilespmem:s6+$0xFFFFFF30] =	vst v4  }
0x15b: {  	v4 =	vld @!p0 [tilespmem:s8+$0x4080];
	_ =	sdelay $0x4  }
0x15c: {  	(v2sf) =	vpush @!p0 v4, $0x0;
	_ =	sdelay $0xe  }
0x15d: {  	s9 =	spop @!p0 (v2sf)  }
0x15e: {  	s10 =	simm.s32 @!p0 $0x7A1400;
	s9 =	sand.u32 @!p0 $0xFFFFF80, s9  }
0x15f: {  	s17 =	simm.s32 @!p0 $0x10000;
	s11 =	sadd.s32 @!p0 s3, s9;
	s9 =	simm.s32 @!p0 $0x400  }
0x160: {  	[tilespmem:s17], [sflag:$0x1] =	stream.strided.gather @!p0 [hbm4b:s11+s9], $0x2000, s10, s9, $0x38;
	v63 =	vld [tilespmem:$0x0]  }
0x161: {  	_ =	swait.ge [sflag:s29], $0x2000  }
0x162: {  	[sflag:s29] =	ssyncset.done $0x0  }
0x163: {  	[sflag:s29] =	ssyncadd.s32 $0xFFFFE000  }
0x164: {  	v4 =	vld [tilespmem:s7+$0x6010];
	_ =	sdelay $0x4  }
0x165: {  	v5 =	vadd.s32 v0, v4;
	_ =	sdelay $0x4  }
0x166: {  	v5 =	vld.idx.msk [tilespmem:v5+s20+$0x0], $0xffff  }
0x167: {  	v49 =	vadd.s32 v1, v4;
	_ =	sdelay $0x3  }
0x168: {  	[tilespmem:s6+$0xFFFFFF40] =	vst v5  }
0x169: {  	v5 =	vld.idx.msk [tilespmem:v49+s20+$0x0], $0xffff  }
0x16a: {  	v50 =	vadd.s32 v2, v4;
	_ =	sdelay $0x3  }
0x16b: {  	[tilespmem:s6+$0xFFFFFF50] =	vst v5  }
0x16c: {  	v5 =	vld.idx.msk [tilespmem:v50+s20+$0x0], $0xffff  }
0x16d: {  	v4 =	vadd.s32 v3, v4;
	_ =	sdelay $0x3  }
0x16e: {  	[tilespmem:s6+$0xFFFFFF60] =	vst v5  }
0x16f: {  	v4 =	vld.idx.msk [tilespmem:v4+s20+$0x0], $0xffff;
	_ =	sdelay $0x4  }
0x170: {  	[tilespmem:s6+$0xFFFFFF70] =	vst v4  }
0x171: {  	v4 =	vld @!p0 [tilespmem:s8+$0x4090];
	_ =	sdelay $0x4  }
0x172: {  	(v2sf) =	vpush @!p0 v4, $0x0;
	_ =	sdelay $0xe  }
0x173: {  	s11 =	spop @!p0 (v2sf)  }
0x174: {  	s11 =	sand.u32 @!p0 $0xFFFFF80, s11  }
0x175: {  	s17 =	simm.s32 @!p0 $0x12000;
	s11 =	sadd.s32 @!p0 s3, s11  }
0x176: {  	[tilespmem:s17], [sflag:$0x2] =	stream.strided.gather @!p0 [hbm4b:s11+s9], $0x2000, s10, s9, $0x38;
	v63 =	vld [tilespmem:$0x0]  }
0x177: {  	_ =	swait.ge [sflag:s30], $0x2000  }
0x178: {  	[sflag:s30] =	ssyncset.done $0x0  }
0x179: {  	[sflag:s30] =	ssyncadd.s32 $0xFFFFE000  }
0x17a: {  	v4 =	vld [tilespmem:s7+$0x6020];
	_ =	sdelay $0x4  }
0x17b: {  	v5 =	vadd.s32 v0, v4;
	_ =	sdelay $0x4  }
0x17c: {  	v5 =	vld.idx.msk [tilespmem:v5+s21+$0x0], $0xffff  }
0x17d: {  	v51 =	vadd.s32 v1, v4;
	_ =	sdelay $0x3  }
0x17e: {  	[tilespmem:s6+$0xFFFFFF80] =	vst v5  }
0x17f: {  	v5 =	vld.idx.msk [tilespmem:v51+s21+$0x0], $0xffff  }
0x180: {  	v52 =	vadd.s32 v2, v4;
	_ =	sdelay $0x3  }
0x181: {  	[tilespmem:s6+$0xFFFFFF90] =	vst v5  }
0x182: {  	v5 =	vld.idx.msk [tilespmem:v52+s21+$0x0], $0xffff  }
0x183: {  	v4 =	vadd.s32 v3, v4;
	_ =	sdelay $0x3  }
0x184: {  	[tilespmem:s6+$0xFFFFFFA0] =	vst v5  }
0x185: {  	v4 =	vld.idx.msk [tilespmem:v4+s21+$0x0], $0xffff;
	_ =	sdelay $0x4  }
0x186: {  	[tilespmem:s6+$0xFFFFFFB0] =	vst v4  }
0x187: {  	v4 =	vld @!p0 [tilespmem:s8+$0x40A0];
	_ =	sdelay $0x4  }
0x188: {  	(v2sf) =	vpush @!p0 v4, $0x0;
	_ =	sdelay $0xe  }
0x189: {  	s11 =	spop @!p0 (v2sf)  }
0x18a: {  	s11 =	sand.u32 @!p0 $0xFFFFF80, s11  }
0x18b: {  	s17 =	simm.s32 @!p0 $0x14000;
	s11 =	sadd.s32 @!p0 s3, s11  }
0x18c: {  	[tilespmem:s17], [sflag:$0x3] =	stream.strided.gather @!p0 [hbm4b:s11+s9], $0x2000, s10, s9, $0x38;
	v63 =	vld [tilespmem:$0x0]  }
0x18d: {  	_ =	swait.ge [sflag:s31], $0x2000  }
0x18e: {  	[sflag:s31] =	ssyncset.done $0x0  }
0x18f: {  	[sflag:s31] =	ssyncadd.s32 $0xFFFFE000  }
0x190: {  	v4 =	vld [tilespmem:s7+$0x6030];
	_ =	sdelay $0x4  }
0x191: {  	v5 =	vadd.s32 v0, v4;
	_ =	sdelay $0x4  }
0x192: {  	v5 =	vld.idx.msk [tilespmem:v5+s22+$0x0], $0xffff  }
0x193: {  	v53 =	vadd.s32 v1, v4;
	_ =	sdelay $0x3  }
0x194: {  	[tilespmem:s6+$0xFFFFFFC0] =	vst v5  }
0x195: {  	v5 =	vld.idx.msk [tilespmem:v53+s22+$0x0], $0xffff  }
0x196: {  	v54 =	vadd.s32 v2, v4;
	_ =	sdelay $0x3  }
0x197: {  	[tilespmem:s6+$0xFFFFFFD0] =	vst v5  }
0x198: {  	v5 =	vld.idx.msk [tilespmem:v54+s22+$0x0], $0xffff  }
0x199: {  	v4 =	vadd.s32 v3, v4;
	_ =	sdelay $0x3  }
0x19a: {  	[tilespmem:s6+$0xFFFFFFE0] =	vst v5  }
0x19b: {  	v4 =	vld.idx.msk [tilespmem:v4+s22+$0x0], $0xffff;
	_ =	sdelay $0x4  }
0x19c: {  	[tilespmem:s6+$0xFFFFFFF0] =	vst v4  }
0x19d: {  	v4 =	vld @!p0 [tilespmem:s8+$0x40B0];
	_ =	sdelay $0x4  }
0x19e: {  	(v2sf) =	vpush @!p0 v4, $0x0;
	_ =	sdelay $0xe  }
0x19f: {  	s11 =	spop @!p0 (v2sf)  }
0x1a0: {  	s11 =	sand.u32 @!p0 $0xFFFFF80, s11  }
0x1a1: {  	s17 =	simm.s32 @!p0 $0x16000;
	s11 =	sadd.s32 @!p0 s3, s11  }
0x1a2: {  	[tilespmem:s17], [sflag:$0x4] =	stream.strided.gather @!p0 [hbm4b:s11+s9], $0x2000, s10, s9, $0x38;
	v63 =	vld [tilespmem:$0x0]  }
0x1a3: {  	_ =	swait.ge [sflag:s1], $0x2000  }
0x1a4: {  	[sflag:s1] =	ssyncset.done $0x0  }
0x1a5: {  	[sflag:s1] =	ssyncadd.s32 $0xFFFFE000  }
0x1a6: {  	v4 =	vld [tilespmem:s7+$0x6040];
	_ =	sdelay $0x4  }
0x1a7: {  	v5 =	vadd.s32 v0, v4;
	_ =	sdelay $0x4  }
0x1a8: {  	v5 =	vld.idx.msk [tilespmem:v5+s23+$0x0], $0xffff  }
0x1a9: {  	v55 =	vadd.s32 v1, v4;
	_ =	sdelay $0x3  }
0x1aa: {  	[tilespmem:s6+$0x0] =	vst v5  }
0x1ab: {  	v5 =	vld.idx.msk [tilespmem:v55+s23+$0x0], $0xffff  }
0x1ac: {  	v56 =	vadd.s32 v2, v4;
	_ =	sdelay $0x3  }
0x1ad: {  	[tilespmem:s6+$0x10] =	vst v5  }
0x1ae: {  	v5 =	vld.idx.msk [tilespmem:v56+s23+$0x0], $0xffff  }
0x1af: {  	v4 =	vadd.s32 v3, v4;
	_ =	sdelay $0x3  }
0x1b0: {  	[tilespmem:s6+$0x20] =	vst v5  }
0x1b1: {  	v4 =	vld.idx.msk [tilespmem:v4+s23+$0x0], $0xffff;
	_ =	sdelay $0x4  }
0x1b2: {  	[tilespmem:s6+$0x30] =	vst v4  }
0x1b3: {  	v4 =	vld @!p0 [tilespmem:s8+$0x40C0];
	_ =	sdelay $0x4  }
0x1b4: {  	(v2sf) =	vpush @!p0 v4, $0x0;
	_ =	sdelay $0xe  }
0x1b5: {  	s11 =	spop @!p0 (v2sf)  }
0x1b6: {  	s11 =	sand.u32 @!p0 $0xFFFFF80, s11  }
0x1b7: {  	s17 =	simm.s32 @!p0 $0x18000;
	s11 =	sadd.s32 @!p0 s3, s11  }
0x1b8: {  	[tilespmem:s17], [sflag:$0x5] =	stream.strided.gather @!p0 [hbm4b:s11+s9], $0x2000, s10, s9, $0x38;
	v63 =	vld [tilespmem:$0x0]  }
0x1b9: {  	_ =	swait.ge [sflag:s0], $0x2000  }
0x1ba: {  	[sflag:s0] =	ssyncset.done $0x0  }
0x1bb: {  	[sflag:s0] =	ssyncadd.s32 $0xFFFFE000  }
0x1bc: {  	v4 =	vld [tilespmem:s7+$0x6050];
	_ =	sdelay $0x4  }
0x1bd: {  	v5 =	vadd.s32 v0, v4;
	_ =	sdelay $0x4  }
0x1be: {  	v5 =	vld.idx.msk [tilespmem:v5+s24+$0x0], $0xffff  }
0x1bf: {  	v57 =	vadd.s32 v1, v4;
	_ =	sdelay $0x3  }
0x1c0: {  	[tilespmem:s6+$0x40] =	vst v5  }
0x1c1: {  	v5 =	vld.idx.msk [tilespmem:v57+s24+$0x0], $0xffff  }
0x1c2: {  	v58 =	vadd.s32 v2, v4;
	_ =	sdelay $0x3  }
0x1c3: {  	[tilespmem:s6+$0x50] =	vst v5  }
0x1c4: {  	v5 =	vld.idx.msk [tilespmem:v58+s24+$0x0], $0xffff  }
0x1c5: {  	v4 =	vadd.s32 v3, v4;
	_ =	sdelay $0x3  }
0x1c6: {  	[tilespmem:s6+$0x60] =	vst v5  }
0x1c7: {  	v4 =	vld.idx.msk [tilespmem:v4+s24+$0x0], $0xffff;
	_ =	sdelay $0x4  }
0x1c8: {  	[tilespmem:s6+$0x70] =	vst v4  }
0x1c9: {  	v4 =	vld @!p0 [tilespmem:s8+$0x40D0];
	_ =	sdelay $0x4  }
0x1ca: {  	(v2sf) =	vpush @!p0 v4, $0x0;
	_ =	sdelay $0xe  }
0x1cb: {  	s11 =	spop @!p0 (v2sf)  }
0x1cc: {  	s11 =	sand.u32 @!p0 $0xFFFFF80, s11  }
0x1cd: {  	s17 =	simm.s32 @!p0 $0x1A000;
	s11 =	sadd.s32 @!p0 s3, s11  }
0x1ce: {  	[tilespmem:s17], [sflag:$0x6] =	stream.strided.gather @!p0 [hbm4b:s11+s9], $0x2000, s10, s9, $0x38;
	v63 =	vld [tilespmem:$0x0]  }
0x1cf: {  	_ =	swait.ge [sflag:s15], $0x2000  }
0x1d0: {  	[sflag:s15] =	ssyncset.done $0x0  }
0x1d1: {  	[sflag:s15] =	ssyncadd.s32 $0xFFFFE000  }
0x1d2: {  	v4 =	vld [tilespmem:s7+$0x6060];
	_ =	sdelay $0x4  }
0x1d3: {  	v5 =	vadd.s32 v0, v4;
	_ =	sdelay $0x4  }
0x1d4: {  	v5 =	vld.idx.msk [tilespmem:v5+s25+$0x0], $0xffff  }
0x1d5: {  	v59 =	vadd.s32 v1, v4;
	_ =	sdelay $0x3  }
0x1d6: {  	[tilespmem:s6+$0x80] =	vst v5  }
0x1d7: {  	v5 =	vld.idx.msk [tilespmem:v59+s25+$0x0], $0xffff  }
0x1d8: {  	v60 =	vadd.s32 v2, v4;
	_ =	sdelay $0x3  }
0x1d9: {  	[tilespmem:s6+$0x90] =	vst v5  }
0x1da: {  	v5 =	vld.idx.msk [tilespmem:v60+s25+$0x0], $0xffff  }
0x1db: {  	v4 =	vadd.s32 v3, v4;
	_ =	sdelay $0x3  }
0x1dc: {  	[tilespmem:s6+$0xA0] =	vst v5  }
0x1dd: {  	v4 =	vld.idx.msk [tilespmem:v4+s25+$0x0], $0xffff;
	_ =	sdelay $0x4  }
0x1de: {  	[tilespmem:s6+$0xB0] =	vst v4  }
0x1df: {  	v4 =	vld @!p0 [tilespmem:s8+$0x40E0];
	_ =	sdelay $0x4  }
0x1e0: {  	(v2sf) =	vpush @!p0 v4, $0x0;
	_ =	sdelay $0xe  }
0x1e1: {  	s8 =	spop @!p0 (v2sf)  }
0x1e2: {  	s8 =	sand.u32 @!p0 $0xFFFFF80, s8  }
0x1e3: {  	s11 =	simm.s32 @!p0 $0x1C000;
	s8 =	sadd.s32 @!p0 s3, s8  }
0x1e4: {  	[tilespmem:s11], [sflag:$0x7] =	stream.strided.gather @!p0 [hbm4b:s8+s9], $0x2000, s10, s9, $0x38;
	v63 =	vld [tilespmem:$0x0]  }
0x1e5: {  	_ =	swait.ge [sflag:s16], $0x2000  }
0x1e6: {  	[sflag:s16] =	ssyncset.done $0x0  }
0x1e7: {  	[sflag:s16] =	ssyncadd.s32 $0xFFFFE000  }
0x1e8: {  	v4 =	vld [tilespmem:s7+$0x6070];
	_ =	sdelay $0x4  }
0x1e9: {  	v5 =	vadd.s32 v0, v4;
	_ =	sdelay $0x4  }
0x1ea: {  	v5 =	vld.idx.msk [tilespmem:v5+s26+$0x0], $0xffff  }
0x1eb: {  	v61 =	vadd.s32 v1, v4;
	_ =	sdelay $0x3  }
0x1ec: {  	[tilespmem:s6+$0xC0] =	vst v5  }
0x1ed: {  	v5 =	vld.idx.msk [tilespmem:v61+s26+$0x0], $0xffff  }
0x1ee: {  	v62 =	vadd.s32 v2, v4;
	_ =	sdelay $0x3  }
0x1ef: {  	[tilespmem:s6+$0xD0] =	vst v5  }
0x1f0: {  	v5 =	vld.idx.msk [tilespmem:v62+s26+$0x0], $0xffff  }
0x1f1: {  	v4 =	vadd.s32 v3, v4;
	_ =	sdelay $0x3  }
0x1f2: {  	[tilespmem:s6+$0xE0] =	vst v5  }
0x1f3: {  	v4 =	vld.idx.msk [tilespmem:v4+s26+$0x0], $0xffff  }
.Ltmp4:
0x1f4: {  	_ = 	snop;
	(pc) =	sbr.rel @p0 .LBB2_7-.Ltmp4, $2  }
0x1f5: {  	_ =	sdelay $0x2  }
0x1f6: {  	[tilespmem:s6+$0xF0] =	vst v4  }
0x1f7: {  	v4 =	vld [tilespmem:s7+$0x40F0];
	_ =	sdelay $0x4  }
0x1f8: {  	(v2sf) =	vpush v4, $0x0;
	_ =	sdelay $0xd  }
.Ltmp5:
0x1f9: {  	_ = 	snop;
	(pc) =	sbr.rel .LBB2_5-.Ltmp5, $4  }
0x1fa: {  	s17 =	spop (v2sf)  }
0x1fb: {  	s7 =	sand.u32 $0xFFFFF80, s17  }
0x1fc: {  	s5 =	sadd.s32 $0x200, s5;
	s6 =	sadd.s32 $0x200, s6;
	s7 =	sadd.s32 s3, s7  }
0x1fd: {  	[tilespmem:s26], [sflag:$0x8] =	stream.strided.gather [hbm4b:s7+s13], $0x2000, s18, s13, $0x38;
	v63 =	vld [tilespmem:$0x0]  }
.LBB2_8:
0x1fe: {  	_ =	sfence.sel $0x180000  }
0x1ff: {  	[bflag:$0x0] =	sbarrier.arrive $0xFFFF  }
0x200: {  	_ =	strace $0x90000047  }
0x201: {  	s0 =	stileid.u32;
	[bflag:$0x2] =	sbarrier.arrive $0xFFFF  }
0x202: {  	p0 =	sne.s32 s0, $0x0;
	s0 =	rddreg [dreg:$0x3]  }
0x203: {  	s0 =	sadd.s32 @!p0 $0x100000, s0  }
0x204: {  	[sflag:s0] =	ssyncadd.tile.s32 @!p0 $0x1;
	_ =	shalt  }
.Lfunc_end2:
_tile_overlayer_lowered:
.L_overlay_start_2:
0x205: {  	(tag) =	ssettag $0x2  }
0x206: {  	s0 =	rddreg [dreg:$0x0];
	s2 =	stileid.u32  }
0x207: {  	s1 =	rddreg [dreg:$0x1];
	p0 =	sne.s32 s2, $0x0  }
0x208: {  	s3 =	rddreg [dreg:$0x2];
	[bflag:$0x3] =	sbarrier.arrive $0xFFFF;
	s2 =	simm.s32 @!p0 $0x1C09  }
0x209: {  	[timem:s3], [sflag:s2] =	dma.local @!p0 [hbm:s0], s1  }
0x20a: {  	s0 =	simm.s32 @!p0 $0x9  }
0x20b: {  	_ =	swait.ge @!p0 [sflag:s0], s1  }
0x20c: {  	s1 =	ssub.s32 @!p0 $0x0, s1;
	[sflag:s0] =	ssyncset.done @!p0 $0x0  }
0x20d: {  	[sflag:s0] =	ssyncadd.s32 @!p0 s1  }
0x20e: {  	[bflag:$0x3] =	sbarrier.arrive $0xFFFF  }
0x20f: {  	_ =	shalt  }

</sc_bundles>
